<compile_context>
chip_gen: v7x
topology: tpu7x:2x2x1
jax: 0.10.2.dev20260603
libtpu: 0.0.44.dev20260713+nightly
codegen_flags: <defaults>
</compile_context>

<pallas_src>
import functools

import jax
import jax.numpy as jnp
from jax import lax
from jax.experimental import pallas as pl
from jax.experimental.pallas import tpu as pltpu
from jax.experimental.pallas import tpu_sc as plsc




def _split_fc(gf, W, b):
    Bn, K = gf.shape
    N = W.shape[1]
    CB = 8192

    def body(g_ref, w_ref, b_ref, o_ref):
        o_ref[...] = (
            jnp.dot(g_ref[...], w_ref[...], preferred_element_type=jnp.float32)
            + b_ref[...]
        )

    return pl.pallas_call(
        body,
        grid=(N // CB,),
        in_specs=[
            pl.BlockSpec((Bn, K), lambda i: (0, 0)),
            pl.BlockSpec((K, CB), lambda i: (0, i)),
            pl.BlockSpec((1, CB), lambda i: (0, i)),
        ],
        out_specs=pl.BlockSpec((Bn, CB), lambda i: (0, i)),
        out_shape=jax.ShapeDtypeStruct((Bn, N), jnp.float32),
    )(gf, W, b.reshape(1, N))


def _conv1_mm(xvg, loc, Wr_vg, Wn_vg, Wr_l, Wn_l, b):
    BV, Kvg = xvg.shape
    Kl = loc.shape[1]
    F = Wr_l.shape[1]
    Vt = 512

    def body(x_ref, l_ref, wrvg, wnvg, wrl, wnl, b_ref, xr_ref, xn_ref):
        x = x_ref[...]
        l = l_ref[...]
        d = functools.partial(jnp.dot, preferred_element_type=jnp.float32)
        xr_ref[...] = (
            d(x, wrvg[...]) + d(l, wrl[...]) + b_ref[...]
        ).astype(jnp.bfloat16)
        xn_ref[...] = (d(x, wnvg[...]) + d(l, wnl[...])).astype(jnp.bfloat16)

    return pl.pallas_call(
        body,
        grid=(BV // Vt,),
        in_specs=[
            pl.BlockSpec((Vt, Kvg), lambda i: (i, 0)),
            pl.BlockSpec((Vt, Kl), lambda i: (i, 0)),
            pl.BlockSpec((Kvg, F), lambda i: (0, 0)),
            pl.BlockSpec((Kvg, F), lambda i: (0, 0)),
            pl.BlockSpec((Kl, F), lambda i: (0, 0)),
            pl.BlockSpec((Kl, F), lambda i: (0, 0)),
            pl.BlockSpec((1, F), lambda i: (0, 0)),
        ],
        out_specs=[
            pl.BlockSpec((Vt, F), lambda i: (i, 0)),
            pl.BlockSpec((Vt, F), lambda i: (i, 0)),
        ],
        out_shape=[
            jax.ShapeDtypeStruct((BV, F), jnp.bfloat16),
            jax.ShapeDtypeStruct((BV, F), jnp.bfloat16),
        ],
    )(xvg, loc, Wr_vg, Wn_vg, Wr_l, Wn_l, b.reshape(1, F))


def _combine(P16, xnb, xr, xprev, mats, relu1, emit_t, emit_dt=jnp.bfloat16):
    Vn, BF = xr.shape
    F = mats[0][0].shape[0] if mats else BF
    B = BF // F
    RT = 256

    def body(*refs):
        it = iter(refs)
        p_ref = next(it)
        xn_ref = next(it)
        xr_ref = next(it)
        xp_ref = next(it) if xprev is not None else None
        wb_refs = []
        for _, bias, _dt in mats:
            wr = next(it)
            br = next(it) if bias is not None else None
            wb_refs.append((wr, br))
        outs = list(it)
        pb = p_ref[...]
        agg = jnp.dot(pb, xn_ref[...], preferred_element_type=jnp.float32)
        deg = jnp.sum(pb.astype(jnp.float32), axis=1, keepdims=True)
        r = 1.0 / jnp.maximum(deg, 1.0)
        t = xr_ref[...].astype(jnp.float32) + agg * r
        if relu1:
            t = jnp.maximum(t, 0.0)
        if xp_ref is not None:
            t = jnp.maximum(xp_ref[...].astype(jnp.float32) + t, 0.0)
        k = 0
        if emit_t:
            outs[0][...] = t.astype(emit_dt)
            k = 1
        for (wr, br), (_, _, dt), o_ref in zip(wb_refs, mats, outs[k:]):
            ys = []
            for b in range(B):
                y = jnp.dot(
                    t[:, b * F:(b + 1) * F], wr[...],
                    preferred_element_type=jnp.float32,
                )
                if br is not None:
                    y = y + br[...]
                ys.append(y.astype(dt))
            o_ref[...] = jnp.concatenate(ys, axis=1)

    in_specs = [
        pl.BlockSpec((RT, Vn), lambda i: (i, 0)),
        pl.BlockSpec((Vn, BF), lambda i: (0, 0)),
        pl.BlockSpec((RT, BF), lambda i: (i, 0)),
    ]
    args = [P16, xnb, xr]
    if xprev is not None:
        in_specs.append(pl.BlockSpec((RT, xprev.shape[1]), lambda i: (i, 0)))
        args.append(xprev)
    out_shapes = []
    out_specs = []
    if emit_t:
        out_shapes.append(jax.ShapeDtypeStruct((Vn, BF), emit_dt))
        out_specs.append(pl.BlockSpec((RT, BF), lambda i: (i, 0)))
    for W, bias, dt in mats:
        Ki, Fo = W.shape
        in_specs.append(pl.BlockSpec((Ki, Fo), lambda i: (0, 0)))
        args.append(W)
        if bias is not None:
            in_specs.append(pl.BlockSpec((1, Fo), lambda i: (0, 0)))
            args.append(bias.reshape(1, Fo))
        out_shapes.append(jax.ShapeDtypeStruct((Vn, B * Fo), dt))
        out_specs.append(pl.BlockSpec((RT, B * Fo), lambda i: (i, 0)))

    res = pl.pallas_call(
        body,
        grid=(Vn // RT,),
        in_specs=in_specs,
        out_specs=out_specs,
        out_shape=out_shapes,
    )(*args)
    return res if isinstance(res, (list, tuple)) else [res]



_EPAD = 128
_PASS_ROWS = 32


def _sc_build_p(dst, src, Vn):
    info = plsc.get_sparse_core_info()
    NC, NS = info.num_cores, info.num_subcores
    NW = NC * NS
    Ep = dst.shape[0]
    RPW = Vn // NW
    npass = RPW // _PASS_ROWS
    G = 8
    ng = Ep // (16 * G)
    mesh = plsc.VectorSubcoreMesh(core_axis_name="c", subcore_axis_name="s")

    @functools.partial(
        pl.kernel,
        out_type=jax.ShapeDtypeStruct((Vn * Vn,), jnp.float32),
        mesh=mesh,
        compiler_params=pltpu.CompilerParams(needs_layout_passes=False),
        scratch_types=[
            pltpu.VMEM((Ep,), jnp.int32),
            pltpu.VMEM((Ep,), jnp.int32),
            pltpu.VMEM((_PASS_ROWS * Vn,), jnp.float32),
            pltpu.SemaphoreType.DMA,
            pltpu.SemaphoreType.DMA,
        ],
    )
    def k(dst_hbm, src_hbm, out_hbm, dv, sv, acc, sem1, sem2):
        c = lax.axis_index("c")
        s = lax.axis_index("s")
        w = s * NC + c
        ones = jnp.ones((16,), jnp.float32)
        zero = jnp.zeros((16,), jnp.float32)

        cp1 = pltpu.async_copy(dst_hbm, dv, sem1)
        cp2 = pltpu.async_copy(src_hbm, sv, sem2)
        cp1.wait()
        cp2.wait()

        for p in range(npass):
            rowbase = (w * npass + p) * _PASS_ROWS

            def zf(i, _):
                for u in range(8):
                    acc[pl.ds(i * 128 + u * 16, 16)] = zero
                return 0

            lax.fori_loop(0, _PASS_ROWS * Vn // 128, zf, 0)

            def grp(i, _):
                for u in range(G):
                    off = i * (16 * G) + u * 16
                    dstv = dv[pl.ds(off, 16)]
                    srcv = sv[pl.ds(off, 16)]
                    loc = dstv - rowbase
                    m = (loc >= 0) & (loc < _PASS_ROWS)
                    idx = jnp.clip(loc * Vn + srcv, 0, _PASS_ROWS * Vn - 1)
                    plsc.addupdate_scatter(acc, [idx], ones, mask=m)
                return 0

            lax.fori_loop(0, ng, grp, 0)
            pltpu.sync_copy(
                acc, out_hbm.at[pl.ds(rowbase * Vn, _PASS_ROWS * Vn)]
            )

    return k(dst, src)




def kernel(vertices, edges, global_features, local_features, params):
    B, Vn, _ = vertices.shape
    E = edges.shape[1]
    BV = B * Vn
    p = params

    src = edges[0].astype(jnp.int32)
    dst = edges[1].astype(jnp.int32)
    pad = (-E) % _EPAD
    if pad:
        dst = jnp.pad(dst, (0, pad), constant_values=Vn)
        src = jnp.pad(src, (0, pad))
    P = _sc_build_p(dst, src, Vn).reshape(Vn, Vn)
    P16 = P.astype(jnp.bfloat16)

    g = _split_fc(global_features, p["W_split"], p["b_split"])
    g3 = g.reshape(B, Vn, 128).transpose(1, 0, 2).reshape(BV, 128)
    v3 = vertices.transpose(1, 0, 2).reshape(BV, 3)
    xvg = jnp.pad(jnp.concatenate([v3, g3], axis=1), ((0, 0), (0, 125)))
    loc3 = local_features.transpose(1, 0, 2).reshape(BV, local_features.shape[2])
    c1 = p["conv1"]
    Wr_vg = jnp.pad(c1["Wr"][:131], ((0, 125), (0, 0)))
    Wn_vg = jnp.pad(c1["Wn"][:131], ((0, 125), (0, 0)))
    Wr_l = c1["Wr"][131:]
    Wn_l = c1["Wn"][131:]
    xr, xn = _conv1_mm(xvg, loc3, Wr_vg, Wn_vg, Wr_l, Wn_l, c1["b"])
    xr = xr.reshape(Vn, B * 256)
    xn = xn.reshape(Vn, B * 256)

    bf16 = jnp.bfloat16
    r0, r1 = p["res"]
    x2, xr_a, xn_a = _combine(
        P16, xn, xr, None,
        [(r0["Wr1"], r0["b1"], bf16), (r0["Wn1"], None, bf16)],
        relu1=True, emit_t=True)
    hr, hn = _combine(
        P16, xn_a, xr_a, None,
        [(r0["Wr2"], r0["b2"], bf16), (r0["Wn2"], None, bf16)],
        relu1=True, emit_t=False)
    x3, xr_b, xn_b = _combine(
        P16, hn, hr, x2,
        [(r1["Wr1"], r1["b1"], bf16), (r1["Wn1"], None, bf16)],
        relu1=False, emit_t=True)
    hr2, hn2 = _combine(
        P16, xn_b, xr_b, None,
        [(r1["Wr2"], r1["b2"], bf16), (r1["Wn2"], None, bf16)],
        relu1=True, emit_t=False)
    co = p["conv_out"]
    xr_o, xn_o = _combine(
        P16, hn2, hr2, x3,
        [(co["Wr"], co["b"], bf16), (co["Wn"], None, bf16)],
        relu1=False, emit_t=False)
    cf = p["conv_final"]
    Wr_f = jnp.pad(cf["Wr"], ((0, 0), (0, 13)))
    Wn_f = jnp.pad(cf["Wn"], ((0, 0), (0, 13)))
    b_f = jnp.pad(cf["b"], (0, 13))
    xr_f, xn_f = _combine(
        P16, xn_o, xr_o, None,
        [(Wr_f, b_f, bf16), (Wn_f, None, bf16)], relu1=True, emit_t=False)
    (out16,) = _combine(
        P16, xn_f, xr_f, None, [], relu1=False, emit_t=True,
        emit_dt=jnp.float32)
    return out16.reshape(Vn, B, 16)[:, :, :3].transpose(1, 0, 2)

# --- scband reference (transcript-rebuilt; emitter-appended) ---
"""Pipeline reference for scband-deform-gcn-10926396801120 (READ-ONLY COPY).

The authoritative reference and input builder live on the scoring server;
editing this copy changes nothing except your own understanding.
"""

import jax, jax.numpy as jnp
import numpy as np

B, V, E = 4, 2048, 24576
IN_DIM = 3 + 1088


def _p(key, shape):
    return jax.random.normal(key, shape, dtype=jnp.float32) * 0.02


def setup_inputs(seed: int = 0):
    key = jax.random.key(seed)
    ks = jax.random.split(key, 32)
    vertices = jax.random.normal(ks[0], (B, V, 3), dtype=jnp.float32)
    edges = jax.random.randint(ks[1], (2, E), 0, V, dtype=jnp.int32)
    global_features = jax.random.normal(ks[2], (B, 512), dtype=jnp.float32)
    local_features = jax.random.normal(ks[3], (B, V, 960), dtype=jnp.float32)
    params = {
        "W_split": _p(ks[4], (512, 128 * V)),
        "b_split": jnp.zeros((128 * V,), jnp.float32),
        "conv1": {"Wr": _p(ks[5], (IN_DIM, 256)), "Wn": _p(ks[6], (IN_DIM, 256)), "b": jnp.zeros((256,), jnp.float32)},
        "res": [
            {"Wr1": _p(ks[7], (256, 256)), "Wn1": _p(ks[8], (256, 256)), "b1": jnp.zeros((256,), jnp.float32),
             "Wr2": _p(ks[9], (256, 256)), "Wn2": _p(ks[10], (256, 256)), "b2": jnp.zeros((256,), jnp.float32)},
            {"Wr1": _p(ks[11], (256, 256)), "Wn1": _p(ks[12], (256, 256)), "b1": jnp.zeros((256,), jnp.float32),
             "Wr2": _p(ks[13], (256, 256)), "Wn2": _p(ks[14], (256, 256)), "b2": jnp.zeros((256,), jnp.float32)},
        ],
        "conv_out": {"Wr": _p(ks[15], (256, 64)), "Wn": _p(ks[16], (256, 64)), "b": jnp.zeros((64,), jnp.float32)},
        "conv_final": {"Wr": _p(ks[17], (64, 3)), "Wn": _p(ks[18], (64, 3)), "b": jnp.zeros((3,), jnp.float32)},
    }
    return {"vertices": vertices, "edges": edges, "global_features": global_features,
            "local_features": local_features, "params": params}


def _gcn_conv(x, src, dst, Wr, Wn, b):
    Bn, Vn, F = x.shape
    msg = x[:, src, :]
    agg = jnp.zeros((Bn, Vn, F), x.dtype).at[:, dst, :].add(msg)
    deg = jnp.zeros((Vn,), x.dtype).at[dst].add(1.0)
    agg = agg / jnp.maximum(deg, 1.0)[None, :, None]
    return x @ Wr + agg @ Wn + b


def _forward(vertices, global_features, local_features, params, src, dst):
    Bn, Vn, _ = vertices.shape
    g = (global_features @ params["W_split"] + params["b_split"]).reshape(Bn, Vn, 128)
    x = jnp.concatenate([vertices, g, local_features], axis=2)
    c = params["conv1"]
    x = jax.nn.relu(_gcn_conv(x, src, dst, c["Wr"], c["Wn"], c["b"]))
    for blk in params["res"]:
        h = jax.nn.relu(_gcn_conv(x, src, dst, blk["Wr1"], blk["Wn1"], blk["b1"]))
        h = _gcn_conv(h, src, dst, blk["Wr2"], blk["Wn2"], blk["b2"])
        x = jax.nn.relu(x + h)
    c = params["conv_out"]
    x = jax.nn.relu(_gcn_conv(x, src, dst, c["Wr"], c["Wn"], c["b"]))
    c = params["conv_final"]
    return _gcn_conv(x, src, dst, c["Wr"], c["Wn"], c["b"])


def reference(vertices, edges, global_features, local_features, params):
    return _forward(vertices, global_features, local_features, params, edges[0], edges[1])

if __name__ == "__main__":
    import jax
    _d = setup_inputs()
    print(jax.jit(kernel)(*tuple(_d.values())))

</pallas_src>

<mosaic_0001>
#map = affine_map<(d0, d1) -> (0)>
module attributes {stable_mosaic.version = 14 : i64} {
  func.func @k(%arg0: i32, %arg1: i32, %arg2: memref<24576xi32, #tpu.memory_space<hbm>>, %arg3: memref<24576xi32, #tpu.memory_space<hbm>>, %arg4: memref<4194304xf32, #tpu.memory_space<hbm>>, %arg5: memref<24576xi32, #tpu.memory_space<vmem>>, %arg6: memref<24576xi32, #tpu.memory_space<vmem>>, %arg7: memref<65536xf32, #tpu.memory_space<vmem>>, %arg8: memref<!tpu.dma_semaphore, #tpu.memory_space<semaphore_mem>>, %arg9: memref<!tpu.dma_semaphore, #tpu.memory_space<semaphore_mem>>) attributes {dimension_semantics = [#tpu.dimension_semantics<core_parallel>, #tpu.dimension_semantics<subcore_parallel>], iteration_bounds = array<i64: 2, 16>, scalar_prefetch = 0 : i64, scratch_operands = 5 : i64, tpu.core_type = #tpu.core_type<sc_vector_subcore>, window_params = [{transform_indices = #map}, {transform_indices = #map}, {transform_indices = #map}]} {
    %mul3A = arith.constant 2 : i32
    %mul3A_0 = arith.muli %arg1, %mul3A : i32
    %add3A = arith.addi %mul3A_0, %arg0 : i32
    %broadcast_in_dim3A = arith.constant 1.000000e+00 : f32
    %broadcast_in_dim3A_1 = vector.broadcast %broadcast_in_dim3A : f32 to vector<16xf32>
    %broadcast_in_dim3A_2 = arith.constant 0.000000e+00 : f32
    %broadcast_in_dim3A_3 = vector.broadcast %broadcast_in_dim3A_2 : f32 to vector<16xf32>
    tpu.enqueue_dma source(%arg2 : memref<24576xi32, #tpu.memory_space<hbm>>) target(%arg5 : memref<24576xi32, #tpu.memory_space<vmem>>) target_semaphore(%arg8 : memref<!tpu.dma_semaphore, #tpu.memory_space<semaphore_mem>>)
    tpu.enqueue_dma source(%arg3 : memref<24576xi32, #tpu.memory_space<hbm>>) target(%arg6 : memref<24576xi32, #tpu.memory_space<vmem>>) target_semaphore(%arg9 : memref<!tpu.dma_semaphore, #tpu.memory_space<semaphore_mem>>)
    tpu.wait_dma2 semaphore(%arg8 : memref<!tpu.dma_semaphore, #tpu.memory_space<semaphore_mem>>) src(%arg2 : memref<24576xi32, #tpu.memory_space<hbm>>) dst(%arg5 : memref<24576xi32, #tpu.memory_space<vmem>>)
    tpu.wait_dma2 semaphore(%arg9 : memref<!tpu.dma_semaphore, #tpu.memory_space<semaphore_mem>>) src(%arg3 : memref<24576xi32, #tpu.memory_space<hbm>>) dst(%arg6 : memref<24576xi32, #tpu.memory_space<vmem>>)
    %mul3A_4 = arith.constant 2 : i32
    %mul3A_5 = arith.muli %add3A, %mul3A_4 : i32
    %add3A_6 = arith.constant 0 : i32
    %add3A_7 = arith.addi %mul3A_5, %add3A_6 : i32
    %mul3A_8 = arith.constant 32 : i32
    %mul3A_9 = arith.muli %add3A_7, %mul3A_8 : i32
    %scan3A = arith.constant 0 : i32
    %scan3A_10 = arith.constant 0 : i32
    %scan3A_11 = arith.constant 512 : i32
    %scan3A_12 = arith.addi %scan3A_10, %scan3A_11 : i32
    %scan3A_13 = arith.constant 1 : i32
    %scan3A_14 = scf.for %scan3A_47 = %scan3A_10 to %scan3A_12 step %scan3A_13 iter_args(%scan3A_48 = %scan3A) -> (i32)  : i32 {
      %mul3A_49 = arith.constant 128 : i32
      %mul3A_50 = arith.muli %scan3A_47, %mul3A_49 : i32
      %add3A_51 = arith.constant 0 : i32
      %add3A_52 = arith.addi %mul3A_50, %add3A_51 : i32
      %swap3A = arith.index_cast %add3A_52 : i32 to index
      %swap3A_53 = tpu.vector_load %arg7[%swap3A] {strides = array<i32>} : memref<65536xf32, #tpu.memory_space<vmem>>, vector<16xf32>,
      tpu.vector_store %arg7[%swap3A], %broadcast_in_dim3A_3 {strides = array<i32>} : memref<65536xf32, #tpu.memory_space<vmem>>, vector<16xf32>,
      %mul3A_54 = arith.constant 128 : i32
      %mul3A_55 = arith.muli %scan3A_47, %mul3A_54 : i32
      %add3A_56 = arith.constant 16 : i32
      %add3A_57 = arith.addi %mul3A_55, %add3A_56 : i32
      %swap3A_58 = arith.index_cast %add3A_57 : i32 to index
      %swap3A_59 = tpu.vector_load %arg7[%swap3A_58] {strides = array<i32>} : memref<65536xf32, #tpu.memory_space<vmem>>, vector<16xf32>,
      tpu.vector_store %arg7[%swap3A_58], %broadcast_in_dim3A_3 {strides = array<i32>} : memref<65536xf32, #tpu.memory_space<vmem>>, vector<16xf32>,
      %mul3A_60 = arith.constant 128 : i32
      %mul3A_61 = arith.muli %scan3A_47, %mul3A_60 : i32
      %add3A_62 = arith.constant 32 : i32
      %add3A_63 = arith.addi %mul3A_61, %add3A_62 : i32
      %swap3A_64 = arith.index_cast %add3A_63 : i32 to index
      %swap3A_65 = tpu.vector_load %arg7[%swap3A_64] {strides = array<i32>} : memref<65536xf32, #tpu.memory_space<vmem>>, vector<16xf32>,
      tpu.vector_store %arg7[%swap3A_64], %broadcast_in_dim3A_3 {strides = array<i32>} : memref<65536xf32, #tpu.memory_space<vmem>>, vector<16xf32>,
      %mul3A_66 = arith.constant 128 : i32
      %mul3A_67 = arith.muli %scan3A_47, %mul3A_66 : i32
      %add3A_68 = arith.constant 48 : i32
      %add3A_69 = arith.addi %mul3A_67, %add3A_68 : i32
      %swap3A_70 = arith.index_cast %add3A_69 : i32 to index
      %swap3A_71 = tpu.vector_load %arg7[%swap3A_70] {strides = array<i32>} : memref<65536xf32, #tpu.memory_space<vmem>>, vector<16xf32>,
      tpu.vector_store %arg7[%swap3A_70], %broadcast_in_dim3A_3 {strides = array<i32>} : memref<65536xf32, #tpu.memory_space<vmem>>, vector<16xf32>,
      %mul3A_72 = arith.constant 128 : i32
      %mul3A_73 = arith.muli %scan3A_47, %mul3A_72 : i32
      %add3A_74 = arith.constant 64 : i32
      %add3A_75 = arith.addi %mul3A_73, %add3A_74 : i32
      %swap3A_76 = arith.index_cast %add3A_75 : i32 to index
      %swap3A_77 = tpu.vector_load %arg7[%swap3A_76] {strides = array<i32>} : memref<65536xf32, #tpu.memory_space<vmem>>, vector<16xf32>,
      tpu.vector_store %arg7[%swap3A_76], %broadcast_in_dim3A_3 {strides = array<i32>} : memref<65536xf32, #tpu.memory_space<vmem>>, vector<16xf32>,
      %mul3A_78 = arith.constant 128 : i32
      %mul3A_79 = arith.muli %scan3A_47, %mul3A_78 : i32
      %add3A_80 = arith.constant 80 : i32
      %add3A_81 = arith.addi %mul3A_79, %add3A_80 : i32
      %swap3A_82 = arith.index_cast %add3A_81 : i32 to index
      %swap3A_83 = tpu.vector_load %arg7[%swap3A_82] {strides = array<i32>} : memref<65536xf32, #tpu.memory_space<vmem>>, vector<16xf32>,
      tpu.vector_store %arg7[%swap3A_82], %broadcast_in_dim3A_3 {strides = array<i32>} : memref<65536xf32, #tpu.memory_space<vmem>>, vector<16xf32>,
      %mul3A_84 = arith.constant 128 : i32
      %mul3A_85 = arith.muli %scan3A_47, %mul3A_84 : i32
      %add3A_86 = arith.constant 96 : i32
      %add3A_87 = arith.addi %mul3A_85, %add3A_86 : i32
      %swap3A_88 = arith.index_cast %add3A_87 : i32 to index
      %swap3A_89 = tpu.vector_load %arg7[%swap3A_88] {strides = array<i32>} : memref<65536xf32, #tpu.memory_space<vmem>>, vector<16xf32>,
      tpu.vector_store %arg7[%swap3A_88], %broadcast_in_dim3A_3 {strides = array<i32>} : memref<65536xf32, #tpu.memory_space<vmem>>, vector<16xf32>,
      %mul3A_90 = arith.constant 128 : i32
      %mul3A_91 = arith.muli %scan3A_47, %mul3A_90 : i32
      %add3A_92 = arith.constant 112 : i32
      %add3A_93 = arith.addi %mul3A_91, %add3A_92 : i32
      %swap3A_94 = arith.index_cast %add3A_93 : i32 to index
      %swap3A_95 = tpu.vector_load %arg7[%swap3A_94] {strides = array<i32>} : memref<65536xf32, #tpu.memory_space<vmem>>, vector<16xf32>,
      tpu.vector_store %arg7[%swap3A_94], %broadcast_in_dim3A_3 {strides = array<i32>} : memref<65536xf32, #tpu.memory_space<vmem>>, vector<16xf32>,
      %scan3A_96 = arith.constant 0 : i32
      scf.yield %scan3A_96 : i32
    }
    %scan3A_15 = arith.constant 512 : i32
    %scan3A_16 = arith.constant 0 : i32
    %scan3A_17 = arith.constant 0 : i32
    %scan3A_18 = arith.constant 192 : i32
    %scan3A_19 = arith.addi %scan3A_17, %scan3A_18 : i32
    %scan3A_20 = arith.constant 1 : i32
    %scan3A_21 = scf.for %scan3A_47 = %scan3A_17 to %scan3A_19 step %scan3A_20 iter_args(%scan3A_48 = %scan3A_16) -> (i32)  : i32 {
      %mul3A_49 = arith.constant 128 : i32
      %mul3A_50 = arith.muli %scan3A_47, %mul3A_49 : i32
      %add3A_51 = arith.constant 0 : i32
      %add3A_52 = arith.addi %mul3A_50, %add3A_51 : i32
      %get3A = arith.index_cast %add3A_52 : i32 to index
      %get3A_53 = tpu.vector_load %arg5[%get3A] {strides = array<i32>} : memref<24576xi32, #tpu.memory_space<vmem>>, vector<16xi32>,
      %get3A_54 = arith.index_cast %add3A_52 : i32 to index
      %get3A_55 = tpu.vector_load %arg6[%get3A_54] {strides = array<i32>} : memref<24576xi32, #tpu.memory_space<vmem>>, vector<16xi32>,
      %sub3A = vector.broadcast %mul3A_9 : i32 to vector<16xi32>
      %sub3A_56 = arith.subi %get3A_53, %sub3A : vector<16xi32>
      %ge3A = arith.constant 0 : i32
      %ge3A_57 = vector.broadcast %ge3A : i32 to vector<16xi32>
      %ge3A_58 = arith.cmpi sge, %sub3A_56, %ge3A_57 : vector<16xi32>
      %lt3A = arith.constant 32 : i32
      %lt3A_59 = vector.broadcast %lt3A : i32 to vector<16xi32>
      %lt3A_60 = arith.cmpi slt, %sub3A_56, %lt3A_59 : vector<16xi32>
      %and3A = arith.andi %ge3A_58, %lt3A_60 : vector<16xi1>
      %mul3A_61 = arith.constant 2048 : i32
      %mul3A_62 = vector.broadcast %mul3A_61 : i32 to vector<16xi32>
      %mul3A_63 = arith.muli %sub3A_56, %mul3A_62 : vector<16xi32>
      %add3A_64 = arith.addi %mul3A_63, %get3A_55 : vector<16xi32>
      %jit3A = arith.constant 0 : i32
      %jit3A_65 = arith.constant 65535 : i32
      %max3A = vector.broadcast %jit3A : i32 to vector<16xi32>
      %max3A_66 = arith.maxsi %max3A, %add3A_64 : vector<16xi32>
      %min3A = vector.broadcast %jit3A_65 : i32 to vector<16xi32>
      %min3A_67 = arith.minsi %min3A, %max3A_66 : vector<16xi32>
      tpu.vector_store_idx %arg7[%min3A_67], %broadcast_in_dim3A_1 masked %and3A {add = true} : memref<65536xf32, #tpu.memory_space<vmem>>[vector<16xi32>], vector<16xf32>, vector<16xi1>
      %mul3A_68 = arith.constant 128 : i32
      %mul3A_69 = arith.muli %scan3A_47, %mul3A_68 : i32
      %add3A_70 = arith.constant 16 : i32
      %add3A_71 = arith.addi %mul3A_69, %add3A_70 : i32
      %get3A_72 = arith.index_cast %add3A_71 : i32 to index
      %get3A_73 = tpu.vector_load %arg5[%get3A_72] {strides = array<i32>} : memref<24576xi32, #tpu.memory_space<vmem>>, vector<16xi32>,
      %get3A_74 = arith.index_cast %add3A_71 : i32 to index
      %get3A_75 = tpu.vector_load %arg6[%get3A_74] {strides = array<i32>} : memref<24576xi32, #tpu.memory_space<vmem>>, vector<16xi32>,
      %sub3A_76 = vector.broadcast %mul3A_9 : i32 to vector<16xi32>
      %sub3A_77 = arith.subi %get3A_73, %sub3A_76 : vector<16xi32>
      %ge3A_78 = arith.constant 0 : i32
      %ge3A_79 = vector.broadcast %ge3A_78 : i32 to vector<16xi32>
      %ge3A_80 = arith.cmpi sge, %sub3A_77, %ge3A_79 : vector<16xi32>
      %lt3A_81 = arith.constant 32 : i32
      %lt3A_82 = vector.broadcast %lt3A_81 : i32 to vector<16xi32>
      %lt3A_83 = arith.cmpi slt, %sub3A_77, %lt3A_82 : vector<16xi32>
      %and3A_84 = arith.andi %ge3A_80, %lt3A_83 : vector<16xi1>
      %mul3A_85 = arith.constant 2048 : i32
      %mul3A_86 = vector.broadcast %mul3A_85 : i32 to vector<16xi32>
      %mul3A_87 = arith.muli %sub3A_77, %mul3A_86 : vector<16xi32>
      %add3A_88 = arith.addi %mul3A_87, %get3A_75 : vector<16xi32>
      %jit3A_89 = arith.constant 0 : i32
      %jit3A_90 = arith.constant 65535 : i32
      %max3A_91 = vector.broadcast %jit3A_89 : i32 to vector<16xi32>
      %max3A_92 = arith.maxsi %max3A_91, %add3A_88 : vector<16xi32>
      %min3A_93 = vector.broadcast %jit3A_90 : i32 to vector<16xi32>
      %min3A_94 = arith.minsi %min3A_93, %max3A_92 : vector<16xi32>
      tpu.vector_store_idx %arg7[%min3A_94], %broadcast_in_dim3A_1 masked %and3A_84 {add = true} : memref<65536xf32, #tpu.memory_space<vmem>>[vector<16xi32>], vector<16xf32>, vector<16xi1>
      %mul3A_95 = arith.constant 128 : i32
      %mul3A_96 = arith.muli %scan3A_47, %mul3A_95 : i32
      %add3A_97 = arith.constant 32 : i32
      %add3A_98 = arith.addi %mul3A_96, %add3A_97 : i32
      %get3A_99 = arith.index_cast %add3A_98 : i32 to index
      %get3A_100 = tpu.vector_load %arg5[%get3A_99] {strides = array<i32>} : memref<24576xi32, #tpu.memory_space<vmem>>, vector<16xi32>,
      %get3A_101 = arith.index_cast %add3A_98 : i32 to index
      %get3A_102 = tpu.vector_load %arg6[%get3A_101] {strides = array<i32>} : memref<24576xi32, #tpu.memory_space<vmem>>, vector<16xi32>,
      %sub3A_103 = vector.broadcast %mul3A_9 : i32 to vector<16xi32>
      %sub3A_104 = arith.subi %get3A_100, %sub3A_103 : vector<16xi32>
      %ge3A_105 = arith.constant 0 : i32
      %ge3A_106 = vector.broadcast %ge3A_105 : i32 to vector<16xi32>
      %ge3A_107 = arith.cmpi sge, %sub3A_104, %ge3A_106 : vector<16xi32>
      %lt3A_108 = arith.constant 32 : i32
      %lt3A_109 = vector.broadcast %lt3A_108 : i32 to vector<16xi32>
      %lt3A_110 = arith.cmpi slt, %sub3A_104, %lt3A_109 : vector<16xi32>
      %and3A_111 = arith.andi %ge3A_107, %lt3A_110 : vector<16xi1>
      %mul3A_112 = arith.constant 2048 : i32
      %mul3A_113 = vector.broadcast %mul3A_112 : i32 to vector<16xi32>
      %mul3A_114 = arith.muli %sub3A_104, %mul3A_113 : vector<16xi32>
      %add3A_115 = arith.addi %mul3A_114, %get3A_102 : vector<16xi32>
      %jit3A_116 = arith.constant 0 : i32
      %jit3A_117 = arith.constant 65535 : i32
      %max3A_118 = vector.broadcast %jit3A_116 : i32 to vector<16xi32>
      %max3A_119 = arith.maxsi %max3A_118, %add3A_115 : vector<16xi32>
      %min3A_120 = vector.broadcast %jit3A_117 : i32 to vector<16xi32>
      %min3A_121 = arith.minsi %min3A_120, %max3A_119 : vector<16xi32>
      tpu.vector_store_idx %arg7[%min3A_121], %broadcast_in_dim3A_1 masked %and3A_111 {add = true} : memref<65536xf32, #tpu.memory_space<vmem>>[vector<16xi32>], vector<16xf32>, vector<16xi1>
      %mul3A_122 = arith.constant 128 : i32
      %mul3A_123 = arith.muli %scan3A_47, %mul3A_122 : i32
      %add3A_124 = arith.constant 48 : i32
      %add3A_125 = arith.addi %mul3A_123, %add3A_124 : i32
      %get3A_126 = arith.index_cast %add3A_125 : i32 to index
      %get3A_127 = tpu.vector_load %arg5[%get3A_126] {strides = array<i32>} : memref<24576xi32, #tpu.memory_space<vmem>>, vector<16xi32>,
      %get3A_128 = arith.index_cast %add3A_125 : i32 to index
      %get3A_129 = tpu.vector_load %arg6[%get3A_128] {strides = array<i32>} : memref<24576xi32, #tpu.memory_space<vmem>>, vector<16xi32>,
      %sub3A_130 = vector.broadcast %mul3A_9 : i32 to vector<16xi32>
      %sub3A_131 = arith.subi %get3A_127, %sub3A_130 : vector<16xi32>
      %ge3A_132 = arith.constant 0 : i32
      %ge3A_133 = vector.broadcast %ge3A_132 : i32 to vector<16xi32>
      %ge3A_134 = arith.cmpi sge, %sub3A_131, %ge3A_133 : vector<16xi32>
      %lt3A_135 = arith.constant 32 : i32
      %lt3A_136 = vector.broadcast %lt3A_135 : i32 to vector<16xi32>
      %lt3A_137 = arith.cmpi slt, %sub3A_131, %lt3A_136 : vector<16xi32>
      %and3A_138 = arith.andi %ge3A_134, %lt3A_137 : vector<16xi1>
      %mul3A_139 = arith.constant 2048 : i32
      %mul3A_140 = vector.broadcast %mul3A_139 : i32 to vector<16xi32>
      %mul3A_141 = arith.muli %sub3A_131, %mul3A_140 : vector<16xi32>
      %add3A_142 = arith.addi %mul3A_141, %get3A_129 : vector<16xi32>
      %jit3A_143 = arith.constant 0 : i32
      %jit3A_144 = arith.constant 65535 : i32
      %max3A_145 = vector.broadcast %jit3A_143 : i32 to vector<16xi32>
      %max3A_146 = arith.maxsi %max3A_145, %add3A_142 : vector<16xi32>
      %min3A_147 = vector.broadcast %jit3A_144 : i32 to vector<16xi32>
      %min3A_148 = arith.minsi %min3A_147, %max3A_146 : vector<16xi32>
      tpu.vector_store_idx %arg7[%min3A_148], %broadcast_in_dim3A_1 masked %and3A_138 {add = true} : memref<65536xf32, #tpu.memory_space<vmem>>[vector<16xi32>], vector<16xf32>, vector<16xi1>
      %mul3A_149 = arith.constant 128 : i32
      %mul3A_150 = arith.muli %scan3A_47, %mul3A_149 : i32
      %add3A_151 = arith.constant 64 : i32
      %add3A_152 = arith.addi %mul3A_150, %add3A_151 : i32
      %get3A_153 = arith.index_cast %add3A_152 : i32 to index
      %get3A_154 = tpu.vector_load %arg5[%get3A_153] {strides = array<i32>} : memref<24576xi32, #tpu.memory_space<vmem>>, vector<16xi32>,
      %get3A_155 = arith.index_cast %add3A_152 : i32 to index
      %get3A_156 = tpu.vector_load %arg6[%get3A_155] {strides = array<i32>} : memref<24576xi32, #tpu.memory_space<vmem>>, vector<16xi32>,
      %sub3A_157 = vector.broadcast %mul3A_9 : i32 to vector<16xi32>
      %sub3A_158 = arith.subi %get3A_154, %sub3A_157 : vector<16xi32>
      %ge3A_159 = arith.constant 0 : i32
      %ge3A_160 = vector.broadcast %ge3A_159 : i32 to vector<16xi32>
      %ge3A_161 = arith.cmpi sge, %sub3A_158, %ge3A_160 : vector<16xi32>
      %lt3A_162 = arith.constant 32 : i32
      %lt3A_163 = vector.broadcast %lt3A_162 : i32 to vector<16xi32>
      %lt3A_164 = arith.cmpi slt, %sub3A_158, %lt3A_163 : vector<16xi32>
      %and3A_165 = arith.andi %ge3A_161, %lt3A_164 : vector<16xi1>
      %mul3A_166 = arith.constant 2048 : i32
      %mul3A_167 = vector.broadcast %mul3A_166 : i32 to vector<16xi32>
      %mul3A_168 = arith.muli %sub3A_158, %mul3A_167 : vector<16xi32>
      %add3A_169 = arith.addi %mul3A_168, %get3A_156 : vector<16xi32>
      %jit3A_170 = arith.constant 0 : i32
      %jit3A_171 = arith.constant 65535 : i32
      %max3A_172 = vector.broadcast %jit3A_170 : i32 to vector<16xi32>
      %max3A_173 = arith.maxsi %max3A_172, %add3A_169 : vector<16xi32>
      %min3A_174 = vector.broadcast %jit3A_171 : i32 to vector<16xi32>
      %min3A_175 = arith.minsi %min3A_174, %max3A_173 : vector<16xi32>
      tpu.vector_store_idx %arg7[%min3A_175], %broadcast_in_dim3A_1 masked %and3A_165 {add = true} : memref<65536xf32, #tpu.memory_space<vmem>>[vector<16xi32>], vector<16xf32>, vector<16xi1>
      %mul3A_176 = arith.constant 128 : i32
      %mul3A_177 = arith.muli %scan3A_47, %mul3A_176 : i32
      %add3A_178 = arith.constant 80 : i32
      %add3A_179 = arith.addi %mul3A_177, %add3A_178 : i32
      %get3A_180 = arith.index_cast %add3A_179 : i32 to index
      %get3A_181 = tpu.vector_load %arg5[%get3A_180] {strides = array<i32>} : memref<24576xi32, #tpu.memory_space<vmem>>, vector<16xi32>,
      %get3A_182 = arith.index_cast %add3A_179 : i32 to index
      %get3A_183 = tpu.vector_load %arg6[%get3A_182] {strides = array<i32>} : memref<24576xi32, #tpu.memory_space<vmem>>, vector<16xi32>,
      %sub3A_184 = vector.broadcast %mul3A_9 : i32 to vector<16xi32>
      %sub3A_185 = arith.subi %get3A_181, %sub3A_184 : vector<16xi32>
      %ge3A_186 = arith.constant 0 : i32
      %ge3A_187 = vector.broadcast %ge3A_186 : i32 to vector<16xi32>
      %ge3A_188 = arith.cmpi sge, %sub3A_185, %ge3A_187 : vector<16xi32>
      %lt3A_189 = arith.constant 32 : i32
      %lt3A_190 = vector.broadcast %lt3A_189 : i32 to vector<16xi32>
      %lt3A_191 = arith.cmpi slt, %sub3A_185, %lt3A_190 : vector<16xi32>
      %and3A_192 = arith.andi %ge3A_188, %lt3A_191 : vector<16xi1>
      %mul3A_193 = arith.constant 2048 : i32
      %mul3A_194 = vector.broadcast %mul3A_193 : i32 to vector<16xi32>
      %mul3A_195 = arith.muli %sub3A_185, %mul3A_194 : vector<16xi32>
      %add3A_196 = arith.addi %mul3A_195, %get3A_183 : vector<16xi32>
      %jit3A_197 = arith.constant 0 : i32
      %jit3A_198 = arith.constant 65535 : i32
      %max3A_199 = vector.broadcast %jit3A_197 : i32 to vector<16xi32>
      %max3A_200 = arith.maxsi %max3A_199, %add3A_196 : vector<16xi32>
      %min3A_201 = vector.broadcast %jit3A_198 : i32 to vector<16xi32>
      %min3A_202 = arith.minsi %min3A_201, %max3A_200 : vector<16xi32>
      tpu.vector_store_idx %arg7[%min3A_202], %broadcast_in_dim3A_1 masked %and3A_192 {add = true} : memref<65536xf32, #tpu.memory_space<vmem>>[vector<16xi32>], vector<16xf32>, vector<16xi1>
      %mul3A_203 = arith.constant 128 : i32
      %mul3A_204 = arith.muli %scan3A_47, %mul3A_203 : i32
      %add3A_205 = arith.constant 96 : i32
      %add3A_206 = arith.addi %mul3A_204, %add3A_205 : i32
      %get3A_207 = arith.index_cast %add3A_206 : i32 to index
      %get3A_208 = tpu.vector_load %arg5[%get3A_207] {strides = array<i32>} : memref<24576xi32, #tpu.memory_space<vmem>>, vector<16xi32>,
      %get3A_209 = arith.index_cast %add3A_206 : i32 to index
      %get3A_210 = tpu.vector_load %arg6[%get3A_209] {strides = array<i32>} : memref<24576xi32, #tpu.memory_space<vmem>>, vector<16xi32>,
      %sub3A_211 = vector.broadcast %mul3A_9 : i32 to vector<16xi32>
      %sub3A_212 = arith.subi %get3A_208, %sub3A_211 : vector<16xi32>
      %ge3A_213 = arith.constant 0 : i32
      %ge3A_214 = vector.broadcast %ge3A_213 : i32 to vector<16xi32>
      %ge3A_215 = arith.cmpi sge, %sub3A_212, %ge3A_214 : vector<16xi32>
      %lt3A_216 = arith.constant 32 : i32
      %lt3A_217 = vector.broadcast %lt3A_216 : i32 to vector<16xi32>
      %lt3A_218 = arith.cmpi slt, %sub3A_212, %lt3A_217 : vector<16xi32>
      %and3A_219 = arith.andi %ge3A_215, %lt3A_218 : vector<16xi1>
      %mul3A_220 = arith.constant 2048 : i32
      %mul3A_221 = vector.broadcast %mul3A_220 : i32 to vector<16xi32>
      %mul3A_222 = arith.muli %sub3A_212, %mul3A_221 : vector<16xi32>
      %add3A_223 = arith.addi %mul3A_222, %get3A_210 : vector<16xi32>
      %jit3A_224 = arith.constant 0 : i32
      %jit3A_225 = arith.constant 65535 : i32
      %max3A_226 = vector.broadcast %jit3A_224 : i32 to vector<16xi32>
      %max3A_227 = arith.maxsi %max3A_226, %add3A_223 : vector<16xi32>
      %min3A_228 = vector.broadcast %jit3A_225 : i32 to vector<16xi32>
      %min3A_229 = arith.minsi %min3A_228, %max3A_227 : vector<16xi32>
      tpu.vector_store_idx %arg7[%min3A_229], %broadcast_in_dim3A_1 masked %and3A_219 {add = true} : memref<65536xf32, #tpu.memory_space<vmem>>[vector<16xi32>], vector<16xf32>, vector<16xi1>
      %mul3A_230 = arith.constant 128 : i32
      %mul3A_231 = arith.muli %scan3A_47, %mul3A_230 : i32
      %add3A_232 = arith.constant 112 : i32
      %add3A_233 = arith.addi %mul3A_231, %add3A_232 : i32
      %get3A_234 = arith.index_cast %add3A_233 : i32 to index
      %get3A_235 = tpu.vector_load %arg5[%get3A_234] {strides = array<i32>} : memref<24576xi32, #tpu.memory_space<vmem>>, vector<16xi32>,
      %get3A_236 = arith.index_cast %add3A_233 : i32 to index
      %get3A_237 = tpu.vector_load %arg6[%get3A_236] {strides = array<i32>} : memref<24576xi32, #tpu.memory_space<vmem>>, vector<16xi32>,
      %sub3A_238 = vector.broadcast %mul3A_9 : i32 to vector<16xi32>
      %sub3A_239 = arith.subi %get3A_235, %sub3A_238 : vector<16xi32>
      %ge3A_240 = arith.constant 0 : i32
      %ge3A_241 = vector.broadcast %ge3A_240 : i32 to vector<16xi32>
      %ge3A_242 = arith.cmpi sge, %sub3A_239, %ge3A_241 : vector<16xi32>
      %lt3A_243 = arith.constant 32 : i32
      %lt3A_244 = vector.broadcast %lt3A_243 : i32 to vector<16xi32>
      %lt3A_245 = arith.cmpi slt, %sub3A_239, %lt3A_244 : vector<16xi32>
      %and3A_246 = arith.andi %ge3A_242, %lt3A_245 : vector<16xi1>
      %mul3A_247 = arith.constant 2048 : i32
      %mul3A_248 = vector.broadcast %mul3A_247 : i32 to vector<16xi32>
      %mul3A_249 = arith.muli %sub3A_239, %mul3A_248 : vector<16xi32>
      %add3A_250 = arith.addi %mul3A_249, %get3A_237 : vector<16xi32>
      %jit3A_251 = arith.constant 0 : i32
      %jit3A_252 = arith.constant 65535 : i32
      %max3A_253 = vector.broadcast %jit3A_251 : i32 to vector<16xi32>
      %max3A_254 = arith.maxsi %max3A_253, %add3A_250 : vector<16xi32>
      %min3A_255 = vector.broadcast %jit3A_252 : i32 to vector<16xi32>
      %min3A_256 = arith.minsi %min3A_255, %max3A_254 : vector<16xi32>
      tpu.vector_store_idx %arg7[%min3A_256], %broadcast_in_dim3A_1 masked %and3A_246 {add = true} : memref<65536xf32, #tpu.memory_space<vmem>>[vector<16xi32>], vector<16xf32>, vector<16xi1>
      %scan3A_257 = arith.constant 0 : i32
      scf.yield %scan3A_257 : i32
    }
    %scan3A_22 = arith.constant 192 : i32
    %mul3A_23 = arith.constant 2048 : i32
    %mul3A_24 = arith.muli %mul3A_9, %mul3A_23 : i32
    "tpu.region"() ({
      %run_scoped3A = tpu.sem_alloc : memref<!tpu.dma_semaphore, #tpu.memory_space<semaphore_mem>>
      %dma_start3A = tpu.memref_slice %arg4[%mul3A_24] : memref<4194304xf32, #tpu.memory_space<hbm>> -> memref<65536xf32, #tpu.memory_space<hbm>>
      %dma_start3A_47 = tpu.memref_slice %arg4[%mul3A_24] : memref<4194304xf32, #tpu.memory_space<hbm>> -> memref<65536xf32, #tpu.memory_space<hbm>>
      tpu.enqueue_dma source(%arg7 : memref<65536xf32, #tpu.memory_space<vmem>>) target(%dma_start3A_47 : memref<65536xf32, #tpu.memory_space<hbm>>) target_semaphore(%run_scoped3A : memref<!tpu.dma_semaphore, #tpu.memory_space<semaphore_mem>>)
      %dma_wait3A = tpu.memref_slice %arg4[%mul3A_24] : memref<4194304xf32, #tpu.memory_space<hbm>> -> memref<65536xf32, #tpu.memory_space<hbm>>
      %dma_wait3A_48 = tpu.memref_slice %arg4[%mul3A_24] : memref<4194304xf32, #tpu.memory_space<hbm>> -> memref<65536xf32, #tpu.memory_space<hbm>>
      tpu.wait_dma2 semaphore(%run_scoped3A : memref<!tpu.dma_semaphore, #tpu.memory_space<semaphore_mem>>) src(%arg7 : memref<65536xf32, #tpu.memory_space<vmem>>) dst(%dma_wait3A_48 : memref<65536xf32, #tpu.memory_space<hbm>>)
      tpu.yield
    }) : () -> ()
    %mul3A_25 = arith.constant 2 : i32
    %mul3A_26 = arith.muli %add3A, %mul3A_25 : i32
    %add3A_27 = arith.constant 1 : i32
    %add3A_28 = arith.addi %mul3A_26, %add3A_27 : i32
    %mul3A_29 = arith.constant 32 : i32
    %mul3A_30 = arith.muli %add3A_28, %mul3A_29 : i32
    %scan3A_31 = arith.constant 0 : i32
    %scan3A_32 = arith.constant 0 : i32
    %scan3A_33 = arith.constant 512 : i32
    %scan3A_34 = arith.addi %scan3A_32, %scan3A_33 : i32
    %scan3A_35 = arith.constant 1 : i32
    %scan3A_36 = scf.for %scan3A_47 = %scan3A_32 to %scan3A_34 step %scan3A_35 iter_args(%scan3A_48 = %scan3A_31) -> (i32)  : i32 {
      %mul3A_49 = arith.constant 128 : i32
      %mul3A_50 = arith.muli %scan3A_47, %mul3A_49 : i32
      %add3A_51 = arith.constant 0 : i32
      %add3A_52 = arith.addi %mul3A_50, %add3A_51 : i32
      %swap3A = arith.index_cast %add3A_52 : i32 to index
      %swap3A_53 = tpu.vector_load %arg7[%swap3A] {strides = array<i32>} : memref<65536xf32, #tpu.memory_space<vmem>>, vector<16xf32>,
      tpu.vector_store %arg7[%swap3A], %broadcast_in_dim3A_3 {strides = array<i32>} : memref<65536xf32, #tpu.memory_space<vmem>>, vector<16xf32>,
      %mul3A_54 = arith.constant 128 : i32
      %mul3A_55 = arith.muli %scan3A_47, %mul3A_54 : i32
      %add3A_56 = arith.constant 16 : i32
      %add3A_57 = arith.addi %mul3A_55, %add3A_56 : i32
      %swap3A_58 = arith.index_cast %add3A_57 : i32 to index
      %swap3A_59 = tpu.vector_load %arg7[%swap3A_58] {strides = array<i32>} : memref<65536xf32, #tpu.memory_space<vmem>>, vector<16xf32>,
      tpu.vector_store %arg7[%swap3A_58], %broadcast_in_dim3A_3 {strides = array<i32>} : memref<65536xf32, #tpu.memory_space<vmem>>, vector<16xf32>,
      %mul3A_60 = arith.constant 128 : i32
      %mul3A_61 = arith.muli %scan3A_47, %mul3A_60 : i32
      %add3A_62 = arith.constant 32 : i32
      %add3A_63 = arith.addi %mul3A_61, %add3A_62 : i32
      %swap3A_64 = arith.index_cast %add3A_63 : i32 to index
      %swap3A_65 = tpu.vector_load %arg7[%swap3A_64] {strides = array<i32>} : memref<65536xf32, #tpu.memory_space<vmem>>, vector<16xf32>,
      tpu.vector_store %arg7[%swap3A_64], %broadcast_in_dim3A_3 {strides = array<i32>} : memref<65536xf32, #tpu.memory_space<vmem>>, vector<16xf32>,
      %mul3A_66 = arith.constant 128 : i32
      %mul3A_67 = arith.muli %scan3A_47, %mul3A_66 : i32
      %add3A_68 = arith.constant 48 : i32
      %add3A_69 = arith.addi %mul3A_67, %add3A_68 : i32
      %swap3A_70 = arith.index_cast %add3A_69 : i32 to index
      %swap3A_71 = tpu.vector_load %arg7[%swap3A_70] {strides = array<i32>} : memref<65536xf32, #tpu.memory_space<vmem>>, vector<16xf32>,
      tpu.vector_store %arg7[%swap3A_70], %broadcast_in_dim3A_3 {strides = array<i32>} : memref<65536xf32, #tpu.memory_space<vmem>>, vector<16xf32>,
      %mul3A_72 = arith.constant 128 : i32
      %mul3A_73 = arith.muli %scan3A_47, %mul3A_72 : i32
      %add3A_74 = arith.constant 64 : i32
      %add3A_75 = arith.addi %mul3A_73, %add3A_74 : i32
      %swap3A_76 = arith.index_cast %add3A_75 : i32 to index
      %swap3A_77 = tpu.vector_load %arg7[%swap3A_76] {strides = array<i32>} : memref<65536xf32, #tpu.memory_space<vmem>>, vector<16xf32>,
      tpu.vector_store %arg7[%swap3A_76], %broadcast_in_dim3A_3 {strides = array<i32>} : memref<65536xf32, #tpu.memory_space<vmem>>, vector<16xf32>,
      %mul3A_78 = arith.constant 128 : i32
      %mul3A_79 = arith.muli %scan3A_47, %mul3A_78 : i32
      %add3A_80 = arith.constant 80 : i32
      %add3A_81 = arith.addi %mul3A_79, %add3A_80 : i32
      %swap3A_82 = arith.index_cast %add3A_81 : i32 to index
      %swap3A_83 = tpu.vector_load %arg7[%swap3A_82] {strides = array<i32>} : memref<65536xf32, #tpu.memory_space<vmem>>, vector<16xf32>,
      tpu.vector_store %arg7[%swap3A_82], %broadcast_in_dim3A_3 {strides = array<i32>} : memref<65536xf32, #tpu.memory_space<vmem>>, vector<16xf32>,
      %mul3A_84 = arith.constant 128 : i32
      %mul3A_85 = arith.muli %scan3A_47, %mul3A_84 : i32
      %add3A_86 = arith.constant 96 : i32
      %add3A_87 = arith.addi %mul3A_85, %add3A_86 : i32
      %swap3A_88 = arith.index_cast %add3A_87 : i32 to index
      %swap3A_89 = tpu.vector_load %arg7[%swap3A_88] {strides = array<i32>} : memref<65536xf32, #tpu.memory_space<vmem>>, vector<16xf32>,
      tpu.vector_store %arg7[%swap3A_88], %broadcast_in_dim3A_3 {strides = array<i32>} : memref<65536xf32, #tpu.memory_space<vmem>>, vector<16xf32>,
      %mul3A_90 = arith.constant 128 : i32
      %mul3A_91 = arith.muli %scan3A_47, %mul3A_90 : i32
      %add3A_92 = arith.constant 112 : i32
      %add3A_93 = arith.addi %mul3A_91, %add3A_92 : i32
      %swap3A_94 = arith.index_cast %add3A_93 : i32 to index
      %swap3A_95 = tpu.vector_load %arg7[%swap3A_94] {strides = array<i32>} : memref<65536xf32, #tpu.memory_space<vmem>>, vector<16xf32>,
      tpu.vector_store %arg7[%swap3A_94], %broadcast_in_dim3A_3 {strides = array<i32>} : memref<65536xf32, #tpu.memory_space<vmem>>, vector<16xf32>,
      %scan3A_96 = arith.constant 0 : i32
      scf.yield %scan3A_96 : i32
    }
    %scan3A_37 = arith.constant 512 : i32
    %scan3A_38 = arith.constant 0 : i32
    %scan3A_39 = arith.constant 0 : i32
    %scan3A_40 = arith.constant 192 : i32
    %scan3A_41 = arith.addi %scan3A_39, %scan3A_40 : i32
    %scan3A_42 = arith.constant 1 : i32
    %scan3A_43 = scf.for %scan3A_47 = %scan3A_39 to %scan3A_41 step %scan3A_42 iter_args(%scan3A_48 = %scan3A_38) -> (i32)  : i32 {
      %mul3A_49 = arith.constant 128 : i32
      %mul3A_50 = arith.muli %scan3A_47, %mul3A_49 : i32
      %add3A_51 = arith.constant 0 : i32
      %add3A_52 = arith.addi %mul3A_50, %add3A_51 : i32
      %get3A = arith.index_cast %add3A_52 : i32 to index
      %get3A_53 = tpu.vector_load %arg5[%get3A] {strides = array<i32>} : memref<24576xi32, #tpu.memory_space<vmem>>, vector<16xi32>,
      %get3A_54 = arith.index_cast %add3A_52 : i32 to index
      %get3A_55 = tpu.vector_load %arg6[%get3A_54] {strides = array<i32>} : memref<24576xi32, #tpu.memory_space<vmem>>, vector<16xi32>,
      %sub3A = vector.broadcast %mul3A_30 : i32 to vector<16xi32>
      %sub3A_56 = arith.subi %get3A_53, %sub3A : vector<16xi32>
      %ge3A = arith.constant 0 : i32
      %ge3A_57 = vector.broadcast %ge3A : i32 to vector<16xi32>
      %ge3A_58 = arith.cmpi sge, %sub3A_56, %ge3A_57 : vector<16xi32>
      %lt3A = arith.constant 32 : i32
      %lt3A_59 = vector.broadcast %lt3A : i32 to vector<16xi32>
      %lt3A_60 = arith.cmpi slt, %sub3A_56, %lt3A_59 : vector<16xi32>
      %and3A = arith.andi %ge3A_58, %lt3A_60 : vector<16xi1>
      %mul3A_61 = arith.constant 2048 : i32
      %mul3A_62 = vector.broadcast %mul3A_61 : i32 to vector<16xi32>
      %mul3A_63 = arith.muli %sub3A_56, %mul3A_62 : vector<16xi32>
      %add3A_64 = arith.addi %mul3A_63, %get3A_55 : vector<16xi32>
      %jit3A = arith.constant 0 : i32
      %jit3A_65 = arith.constant 65535 : i32
      %max3A = vector.broadcast %jit3A : i32 to vector<16xi32>
      %max3A_66 = arith.maxsi %max3A, %add3A_64 : vector<16xi32>
      %min3A = vector.broadcast %jit3A_65 : i32 to vector<16xi32>
      %min3A_67 = arith.minsi %min3A, %max3A_66 : vector<16xi32>
      tpu.vector_store_idx %arg7[%min3A_67], %broadcast_in_dim3A_1 masked %and3A {add = true} : memref<65536xf32, #tpu.memory_space<vmem>>[vector<16xi32>], vector<16xf32>, vector<16xi1>
      %mul3A_68 = arith.constant 128 : i32
      %mul3A_69 = arith.muli %scan3A_47, %mul3A_68 : i32
      %add3A_70 = arith.constant 16 : i32
      %add3A_71 = arith.addi %mul3A_69, %add3A_70 : i32
      %get3A_72 = arith.index_cast %add3A_71 : i32 to index
      %get3A_73 = tpu.vector_load %arg5[%get3A_72] {strides = array<i32>} : memref<24576xi32, #tpu.memory_space<vmem>>, vector<16xi32>,
      %get3A_74 = arith.index_cast %add3A_71 : i32 to index
      %get3A_75 = tpu.vector_load %arg6[%get3A_74] {strides = array<i32>} : memref<24576xi32, #tpu.memory_space<vmem>>, vector<16xi32>,
      %sub3A_76 = vector.broadcast %mul3A_30 : i32 to vector<16xi32>
      %sub3A_77 = arith.subi %get3A_73, %sub3A_76 : vector<16xi32>
      %ge3A_78 = arith.constant 0 : i32
      %ge3A_79 = vector.broadcast %ge3A_78 : i32 to vector<16xi32>
      %ge3A_80 = arith.cmpi sge, %sub3A_77, %ge3A_79 : vector<16xi32>
      %lt3A_81 = arith.constant 32 : i32
      %lt3A_82 = vector.broadcast %lt3A_81 : i32 to vector<16xi32>
      %lt3A_83 = arith.cmpi slt, %sub3A_77, %lt3A_82 : vector<16xi32>
      %and3A_84 = arith.andi %ge3A_80, %lt3A_83 : vector<16xi1>
      %mul3A_85 = arith.constant 2048 : i32
      %mul3A_86 = vector.broadcast %mul3A_85 : i32 to vector<16xi32>
      %mul3A_87 = arith.muli %sub3A_77, %mul3A_86 : vector<16xi32>
      %add3A_88 = arith.addi %mul3A_87, %get3A_75 : vector<16xi32>
      %jit3A_89 = arith.constant 0 : i32
      %jit3A_90 = arith.constant 65535 : i32
      %max3A_91 = vector.broadcast %jit3A_89 : i32 to vector<16xi32>
      %max3A_92 = arith.maxsi %max3A_91, %add3A_88 : vector<16xi32>
      %min3A_93 = vector.broadcast %jit3A_90 : i32 to vector<16xi32>
      %min3A_94 = arith.minsi %min3A_93, %max3A_92 : vector<16xi32>
      tpu.vector_store_idx %arg7[%min3A_94], %broadcast_in_dim3A_1 masked %and3A_84 {add = true} : memref<65536xf32, #tpu.memory_space<vmem>>[vector<16xi32>], vector<16xf32>, vector<16xi1>
      %mul3A_95 = arith.constant 128 : i32
      %mul3A_96 = arith.muli %scan3A_47, %mul3A_95 : i32
      %add3A_97 = arith.constant 32 : i32
      %add3A_98 = arith.addi %mul3A_96, %add3A_97 : i32
      %get3A_99 = arith.index_cast %add3A_98 : i32 to index
      %get3A_100 = tpu.vector_load %arg5[%get3A_99] {strides = array<i32>} : memref<24576xi32, #tpu.memory_space<vmem>>, vector<16xi32>,
      %get3A_101 = arith.index_cast %add3A_98 : i32 to index
      %get3A_102 = tpu.vector_load %arg6[%get3A_101] {strides = array<i32>} : memref<24576xi32, #tpu.memory_space<vmem>>, vector<16xi32>,
      %sub3A_103 = vector.broadcast %mul3A_30 : i32 to vector<16xi32>
      %sub3A_104 = arith.subi %get3A_100, %sub3A_103 : vector<16xi32>
      %ge3A_105 = arith.constant 0 : i32
      %ge3A_106 = vector.broadcast %ge3A_105 : i32 to vector<16xi32>
      %ge3A_107 = arith.cmpi sge, %sub3A_104, %ge3A_106 : vector<16xi32>
      %lt3A_108 = arith.constant 32 : i32
      %lt3A_109 = vector.broadcast %lt3A_108 : i32 to vector<16xi32>
      %lt3A_110 = arith.cmpi slt, %sub3A_104, %lt3A_109 : vector<16xi32>
      %and3A_111 = arith.andi %ge3A_107, %lt3A_110 : vector<16xi1>
      %mul3A_112 = arith.constant 2048 : i32
      %mul3A_113 = vector.broadcast %mul3A_112 : i32 to vector<16xi32>
      %mul3A_114 = arith.muli %sub3A_104, %mul3A_113 : vector<16xi32>
      %add3A_115 = arith.addi %mul3A_114, %get3A_102 : vector<16xi32>
      %jit3A_116 = arith.constant 0 : i32
      %jit3A_117 = arith.constant 65535 : i32
      %max3A_118 = vector.broadcast %jit3A_116 : i32 to vector<16xi32>
      %max3A_119 = arith.maxsi %max3A_118, %add3A_115 : vector<16xi32>
      %min3A_120 = vector.broadcast %jit3A_117 : i32 to vector<16xi32>
      %min3A_121 = arith.minsi %min3A_120, %max3A_119 : vector<16xi32>
      tpu.vector_store_idx %arg7[%min3A_121], %broadcast_in_dim3A_1 masked %and3A_111 {add = true} : memref<65536xf32, #tpu.memory_space<vmem>>[vector<16xi32>], vector<16xf32>, vector<16xi1>
      %mul3A_122 = arith.constant 128 : i32
      %mul3A_123 = arith.muli %scan3A_47, %mul3A_122 : i32
      %add3A_124 = arith.constant 48 : i32
      %add3A_125 = arith.addi %mul3A_123, %add3A_124 : i32
      %get3A_126 = arith.index_cast %add3A_125 : i32 to index
      %get3A_127 = tpu.vector_load %arg5[%get3A_126] {strides = array<i32>} : memref<24576xi32, #tpu.memory_space<vmem>>, vector<16xi32>,
      %get3A_128 = arith.index_cast %add3A_125 : i32 to index
      %get3A_129 = tpu.vector_load %arg6[%get3A_128] {strides = array<i32>} : memref<24576xi32, #tpu.memory_space<vmem>>, vector<16xi32>,
      %sub3A_130 = vector.broadcast %mul3A_30 : i32 to vector<16xi32>
      %sub3A_131 = arith.subi %get3A_127, %sub3A_130 : vector<16xi32>
      %ge3A_132 = arith.constant 0 : i32
      %ge3A_133 = vector.broadcast %ge3A_132 : i32 to vector<16xi32>
      %ge3A_134 = arith.cmpi sge, %sub3A_131, %ge3A_133 : vector<16xi32>
      %lt3A_135 = arith.constant 32 : i32
      %lt3A_136 = vector.broadcast %lt3A_135 : i32 to vector<16xi32>
      %lt3A_137 = arith.cmpi slt, %sub3A_131, %lt3A_136 : vector<16xi32>
      %and3A_138 = arith.andi %ge3A_134, %lt3A_137 : vector<16xi1>
      %mul3A_139 = arith.constant 2048 : i32
      %mul3A_140 = vector.broadcast %mul3A_139 : i32 to vector<16xi32>
      %mul3A_141 = arith.muli %sub3A_131, %mul3A_140 : vector<16xi32>
      %add3A_142 = arith.addi %mul3A_141, %get3A_129 : vector<16xi32>
      %jit3A_143 = arith.constant 0 : i32
      %jit3A_144 = arith.constant 65535 : i32
      %max3A_145 = vector.broadcast %jit3A_143 : i32 to vector<16xi32>
      %max3A_146 = arith.maxsi %max3A_145, %add3A_142 : vector<16xi32>
      %min3A_147 = vector.broadcast %jit3A_144 : i32 to vector<16xi32>
      %min3A_148 = arith.minsi %min3A_147, %max3A_146 : vector<16xi32>
      tpu.vector_store_idx %arg7[%min3A_148], %broadcast_in_dim3A_1 masked %and3A_138 {add = true} : memref<65536xf32, #tpu.memory_space<vmem>>[vector<16xi32>], vector<16xf32>, vector<16xi1>
      %mul3A_149 = arith.constant 128 : i32
      %mul3A_150 = arith.muli %scan3A_47, %mul3A_149 : i32
      %add3A_151 = arith.constant 64 : i32
      %add3A_152 = arith.addi %mul3A_150, %add3A_151 : i32
      %get3A_153 = arith.index_cast %add3A_152 : i32 to index
      %get3A_154 = tpu.vector_load %arg5[%get3A_153] {strides = array<i32>} : memref<24576xi32, #tpu.memory_space<vmem>>, vector<16xi32>,
      %get3A_155 = arith.index_cast %add3A_152 : i32 to index
      %get3A_156 = tpu.vector_load %arg6[%get3A_155] {strides = array<i32>} : memref<24576xi32, #tpu.memory_space<vmem>>, vector<16xi32>,
      %sub3A_157 = vector.broadcast %mul3A_30 : i32 to vector<16xi32>
      %sub3A_158 = arith.subi %get3A_154, %sub3A_157 : vector<16xi32>
      %ge3A_159 = arith.constant 0 : i32
      %ge3A_160 = vector.broadcast %ge3A_159 : i32 to vector<16xi32>
      %ge3A_161 = arith.cmpi sge, %sub3A_158, %ge3A_160 : vector<16xi32>
      %lt3A_162 = arith.constant 32 : i32
      %lt3A_163 = vector.broadcast %lt3A_162 : i32 to vector<16xi32>
      %lt3A_164 = arith.cmpi slt, %sub3A_158, %lt3A_163 : vector<16xi32>
      %and3A_165 = arith.andi %ge3A_161, %lt3A_164 : vector<16xi1>
      %mul3A_166 = arith.constant 2048 : i32
      %mul3A_167 = vector.broadcast %mul3A_166 : i32 to vector<16xi32>
      %mul3A_168 = arith.muli %sub3A_158, %mul3A_167 : vector<16xi32>
      %add3A_169 = arith.addi %mul3A_168, %get3A_156 : vector<16xi32>
      %jit3A_170 = arith.constant 0 : i32
      %jit3A_171 = arith.constant 65535 : i32
      %max3A_172 = vector.broadcast %jit3A_170 : i32 to vector<16xi32>
      %max3A_173 = arith.maxsi %max3A_172, %add3A_169 : vector<16xi32>
      %min3A_174 = vector.broadcast %jit3A_171 : i32 to vector<16xi32>
      %min3A_175 = arith.minsi %min3A_174, %max3A_173 : vector<16xi32>
      tpu.vector_store_idx %arg7[%min3A_175], %broadcast_in_dim3A_1 masked %and3A_165 {add = true} : memref<65536xf32, #tpu.memory_space<vmem>>[vector<16xi32>], vector<16xf32>, vector<16xi1>
      %mul3A_176 = arith.constant 128 : i32
      %mul3A_177 = arith.muli %scan3A_47, %mul3A_176 : i32
      %add3A_178 = arith.constant 80 : i32
      %add3A_179 = arith.addi %mul3A_177, %add3A_178 : i32
      %get3A_180 = arith.index_cast %add3A_179 : i32 to index
      %get3A_181 = tpu.vector_load %arg5[%get3A_180] {strides = array<i32>} : memref<24576xi32, #tpu.memory_space<vmem>>, vector<16xi32>,
      %get3A_182 = arith.index_cast %add3A_179 : i32 to index
      %get3A_183 = tpu.vector_load %arg6[%get3A_182] {strides = array<i32>} : memref<24576xi32, #tpu.memory_space<vmem>>, vector<16xi32>,
      %sub3A_184 = vector.broadcast %mul3A_30 : i32 to vector<16xi32>
      %sub3A_185 = arith.subi %get3A_181, %sub3A_184 : vector<16xi32>
      %ge3A_186 = arith.constant 0 : i32
      %ge3A_187 = vector.broadcast %ge3A_186 : i32 to vector<16xi32>
      %ge3A_188 = arith.cmpi sge, %sub3A_185, %ge3A_187 : vector<16xi32>
      %lt3A_189 = arith.constant 32 : i32
      %lt3A_190 = vector.broadcast %lt3A_189 : i32 to vector<16xi32>
      %lt3A_191 = arith.cmpi slt, %sub3A_185, %lt3A_190 : vector<16xi32>
      %and3A_192 = arith.andi %ge3A_188, %lt3A_191 : vector<16xi1>
      %mul3A_193 = arith.constant 2048 : i32
      %mul3A_194 = vector.broadcast %mul3A_193 : i32 to vector<16xi32>
      %mul3A_195 = arith.muli %sub3A_185, %mul3A_194 : vector<16xi32>
      %add3A_196 = arith.addi %mul3A_195, %get3A_183 : vector<16xi32>
      %jit3A_197 = arith.constant 0 : i32
      %jit3A_198 = arith.constant 65535 : i32
      %max3A_199 = vector.broadcast %jit3A_197 : i32 to vector<16xi32>
      %max3A_200 = arith.maxsi %max3A_199, %add3A_196 : vector<16xi32>
      %min3A_201 = vector.broadcast %jit3A_198 : i32 to vector<16xi32>
      %min3A_202 = arith.minsi %min3A_201, %max3A_200 : vector<16xi32>
      tpu.vector_store_idx %arg7[%min3A_202], %broadcast_in_dim3A_1 masked %and3A_192 {add = true} : memref<65536xf32, #tpu.memory_space<vmem>>[vector<16xi32>], vector<16xf32>, vector<16xi1>
      %mul3A_203 = arith.constant 128 : i32
      %mul3A_204 = arith.muli %scan3A_47, %mul3A_203 : i32
      %add3A_205 = arith.constant 96 : i32
      %add3A_206 = arith.addi %mul3A_204, %add3A_205 : i32
      %get3A_207 = arith.index_cast %add3A_206 : i32 to index
      %get3A_208 = tpu.vector_load %arg5[%get3A_207] {strides = array<i32>} : memref<24576xi32, #tpu.memory_space<vmem>>, vector<16xi32>,
      %get3A_209 = arith.index_cast %add3A_206 : i32 to index
      %get3A_210 = tpu.vector_load %arg6[%get3A_209] {strides = array<i32>} : memref<24576xi32, #tpu.memory_space<vmem>>, vector<16xi32>,
      %sub3A_211 = vector.broadcast %mul3A_30 : i32 to vector<16xi32>
      %sub3A_212 = arith.subi %get3A_208, %sub3A_211 : vector<16xi32>
      %ge3A_213 = arith.constant 0 : i32
      %ge3A_214 = vector.broadcast %ge3A_213 : i32 to vector<16xi32>
      %ge3A_215 = arith.cmpi sge, %sub3A_212, %ge3A_214 : vector<16xi32>
      %lt3A_216 = arith.constant 32 : i32
      %lt3A_217 = vector.broadcast %lt3A_216 : i32 to vector<16xi32>
      %lt3A_218 = arith.cmpi slt, %sub3A_212, %lt3A_217 : vector<16xi32>
      %and3A_219 = arith.andi %ge3A_215, %lt3A_218 : vector<16xi1>
      %mul3A_220 = arith.constant 2048 : i32
      %mul3A_221 = vector.broadcast %mul3A_220 : i32 to vector<16xi32>
      %mul3A_222 = arith.muli %sub3A_212, %mul3A_221 : vector<16xi32>
      %add3A_223 = arith.addi %mul3A_222, %get3A_210 : vector<16xi32>
      %jit3A_224 = arith.constant 0 : i32
      %jit3A_225 = arith.constant 65535 : i32
      %max3A_226 = vector.broadcast %jit3A_224 : i32 to vector<16xi32>
      %max3A_227 = arith.maxsi %max3A_226, %add3A_223 : vector<16xi32>
      %min3A_228 = vector.broadcast %jit3A_225 : i32 to vector<16xi32>
      %min3A_229 = arith.minsi %min3A_228, %max3A_227 : vector<16xi32>
      tpu.vector_store_idx %arg7[%min3A_229], %broadcast_in_dim3A_1 masked %and3A_219 {add = true} : memref<65536xf32, #tpu.memory_space<vmem>>[vector<16xi32>], vector<16xf32>, vector<16xi1>
      %mul3A_230 = arith.constant 128 : i32
      %mul3A_231 = arith.muli %scan3A_47, %mul3A_230 : i32
      %add3A_232 = arith.constant 112 : i32
      %add3A_233 = arith.addi %mul3A_231, %add3A_232 : i32
      %get3A_234 = arith.index_cast %add3A_233 : i32 to index
      %get3A_235 = tpu.vector_load %arg5[%get3A_234] {strides = array<i32>} : memref<24576xi32, #tpu.memory_space<vmem>>, vector<16xi32>,
      %get3A_236 = arith.index_cast %add3A_233 : i32 to index
      %get3A_237 = tpu.vector_load %arg6[%get3A_236] {strides = array<i32>} : memref<24576xi32, #tpu.memory_space<vmem>>, vector<16xi32>,
      %sub3A_238 = vector.broadcast %mul3A_30 : i32 to vector<16xi32>
      %sub3A_239 = arith.subi %get3A_235, %sub3A_238 : vector<16xi32>
      %ge3A_240 = arith.constant 0 : i32
      %ge3A_241 = vector.broadcast %ge3A_240 : i32 to vector<16xi32>
      %ge3A_242 = arith.cmpi sge, %sub3A_239, %ge3A_241 : vector<16xi32>
      %lt3A_243 = arith.constant 32 : i32
      %lt3A_244 = vector.broadcast %lt3A_243 : i32 to vector<16xi32>
      %lt3A_245 = arith.cmpi slt, %sub3A_239, %lt3A_244 : vector<16xi32>
      %and3A_246 = arith.andi %ge3A_242, %lt3A_245 : vector<16xi1>
      %mul3A_247 = arith.constant 2048 : i32
      %mul3A_248 = vector.broadcast %mul3A_247 : i32 to vector<16xi32>
      %mul3A_249 = arith.muli %sub3A_239, %mul3A_248 : vector<16xi32>
      %add3A_250 = arith.addi %mul3A_249, %get3A_237 : vector<16xi32>
      %jit3A_251 = arith.constant 0 : i32
      %jit3A_252 = arith.constant 65535 : i32
      %max3A_253 = vector.broadcast %jit3A_251 : i32 to vector<16xi32>
      %max3A_254 = arith.maxsi %max3A_253, %add3A_250 : vector<16xi32>
      %min3A_255 = vector.broadcast %jit3A_252 : i32 to vector<16xi32>
      %min3A_256 = arith.minsi %min3A_255, %max3A_254 : vector<16xi32>
      tpu.vector_store_idx %arg7[%min3A_256], %broadcast_in_dim3A_1 masked %and3A_246 {add = true} : memref<65536xf32, #tpu.memory_space<vmem>>[vector<16xi32>], vector<16xf32>, vector<16xi1>
      %scan3A_257 = arith.constant 0 : i32
      scf.yield %scan3A_257 : i32
    }
    %scan3A_44 = arith.constant 192 : i32
    %mul3A_45 = arith.constant 2048 : i32
    %mul3A_46 = arith.muli %mul3A_30, %mul3A_45 : i32
    "tpu.region"() ({
      %run_scoped3A = tpu.sem_alloc : memref<!tpu.dma_semaphore, #tpu.memory_space<semaphore_mem>>
      %dma_start3A = tpu.memref_slice %arg4[%mul3A_46] : memref<4194304xf32, #tpu.memory_space<hbm>> -> memref<65536xf32, #tpu.memory_space<hbm>>
      %dma_start3A_47 = tpu.memref_slice %arg4[%mul3A_46] : memref<4194304xf32, #tpu.memory_space<hbm>> -> memref<65536xf32, #tpu.memory_space<hbm>>
      tpu.enqueue_dma source(%arg7 : memref<65536xf32, #tpu.memory_space<vmem>>) target(%dma_start3A_47 : memref<65536xf32, #tpu.memory_space<hbm>>) target_semaphore(%run_scoped3A : memref<!tpu.dma_semaphore, #tpu.memory_space<semaphore_mem>>)
      %dma_wait3A = tpu.memref_slice %arg4[%mul3A_46] : memref<4194304xf32, #tpu.memory_space<hbm>> -> memref<65536xf32, #tpu.memory_space<hbm>>
      %dma_wait3A_48 = tpu.memref_slice %arg4[%mul3A_46] : memref<4194304xf32, #tpu.memory_space<hbm>> -> memref<65536xf32, #tpu.memory_space<hbm>>
      tpu.wait_dma2 semaphore(%run_scoped3A : memref<!tpu.dma_semaphore, #tpu.memory_space<semaphore_mem>>) src(%arg7 : memref<65536xf32, #tpu.memory_space<vmem>>) dst(%dma_wait3A_48 : memref<65536xf32, #tpu.memory_space<hbm>>)
      tpu.yield
    }) : () -> ()
    return
  }
}

module attributes {stable_mosaic.version = 14 : i64} {
  func.func @body(%arg0: i32, %arg1: memref<4x512xf32, #tpu.memory_space<vmem>>, %arg2: memref<512x8192xf32, #tpu.memory_space<vmem>>, %arg3: memref<1x8192xf32, #tpu.memory_space<vmem>>, %arg4: memref<4x8192xf32, #tpu.memory_space<vmem>>) attributes {dimension_semantics = [#tpu.dimension_semantics<arbitrary>], iteration_bounds = array<i64: 32>, scalar_prefetch = 0 : i64, scratch_operands = 0 : i64, tpu.core_type = #tpu.core_type<tc>, window_params = [{pipeline_mode = #tpu.pipeline_mode<synchronous>, transform_indices = @transform_0, window_bounds = array<i64: 4, 512>}, {transform_indices = @transform_1, window_bounds = array<i64: 512, 8192>}, {transform_indices = @transform_2, window_bounds = array<i64: 1, 8192>}, {transform_indices = @transform_3, window_bounds = array<i64: 4, 8192>}]} {
    %get3A = arith.constant 0 : index
    %get3A_0 = arith.constant 0 : index
    %get3A_1 = vector.load %arg1[%get3A, %get3A_0] : memref<4x512xf32, #tpu.memory_space<vmem>>, vector<4x512xf32>
    %get3A_2 = arith.constant 0 : index
    %get3A_3 = arith.constant 0 : index
    %get3A_4 = vector.load %arg2[%get3A_2, %get3A_3] : memref<512x8192xf32, #tpu.memory_space<vmem>>, vector<512x8192xf32>
    %dot_general3A = arith.constant dense<0.000000e+00> : vector<4x8192xf32>
    %dot_general3A_5 = tpu.matmul %get3A_1, %get3A_4, %dot_general3A {dimension_numbers = #tpu.dot_dimension_numbers<[1], [0], [0], [1], [0, 0, 1, 1], [], []>, transpose_lhs_hint = false} : vector<4x512xf32>, vector<512x8192xf32>, vector<4x8192xf32> -> vector<4x8192xf32>
    %get3A_6 = arith.constant 0 : index
    %get3A_7 = arith.constant 0 : index
    %get3A_8 = vector.load %arg3[%get3A_6, %get3A_7] : memref<1x8192xf32, #tpu.memory_space<vmem>>, vector<1x8192xf32>
    %add3A = vector.broadcast %get3A_8 : vector<1x8192xf32> to vector<4x8192xf32>
    %add3A_9 = arith.addf %dot_general3A_5, %add3A : vector<4x8192xf32>
    %swap3A = arith.constant 0 : index
    %swap3A_10 = arith.constant 0 : index
    %swap3A_11 = vector.load %arg4[%swap3A, %swap3A_10] : memref<4x8192xf32, #tpu.memory_space<vmem>>, vector<4x8192xf32>
    tpu.vector_store %arg4[%swap3A, %swap3A_10], %add3A_9 {strides = array<i32>} : memref<4x8192xf32, #tpu.memory_space<vmem>>, vector<4x8192xf32>,
    return
  }
  func.func @transform_0(%arg0: i32) -> (i32, i32) {
    %c0_i32 = arith.constant 0 : i32
    %c0_i32_0 = arith.constant 0 : i32
    %c0_i32_1 = arith.constant 0 : i32
    return %c0_i32, %c0_i32_0 : i32, i32
  }
  func.func @transform_1(%arg0: i32) -> (i32, i32) {
    %c0_i32 = arith.constant 0 : i32
    %c0_i32_0 = arith.constant 0 : i32
    return %c0_i32, %arg0 : i32, i32
  }
  func.func @transform_2(%arg0: i32) -> (i32, i32) {
    %c0_i32 = arith.constant 0 : i32
    %c0_i32_0 = arith.constant 0 : i32
    return %c0_i32, %arg0 : i32, i32
  }
  func.func @transform_3(%arg0: i32) -> (i32, i32) {
    %c0_i32 = arith.constant 0 : i32
    %c0_i32_0 = arith.constant 0 : i32
    return %c0_i32, %arg0 : i32, i32
  }
}

module attributes {stable_mosaic.version = 14 : i64} {
  func.func @body(%arg0: i32, %arg1: memref<512x256xf32, #tpu.memory_space<vmem>>, %arg2: memref<512x960xf32, #tpu.memory_space<vmem>>, %arg3: memref<256x256xf32, #tpu.memory_space<vmem>>, %arg4: memref<256x256xf32, #tpu.memory_space<vmem>>, %arg5: memref<960x256xf32, #tpu.memory_space<vmem>>, %arg6: memref<960x256xf32, #tpu.memory_space<vmem>>, %arg7: memref<1x256xf32, #tpu.memory_space<vmem>>, %arg8: memref<512x256xbf16, #tpu.memory_space<vmem>>, %arg9: memref<512x256xbf16, #tpu.memory_space<vmem>>) attributes {dimension_semantics = [#tpu.dimension_semantics<arbitrary>], iteration_bounds = array<i64: 16>, scalar_prefetch = 0 : i64, scratch_operands = 0 : i64, tpu.core_type = #tpu.core_type<tc>, window_params = [{transform_indices = @transform_0, window_bounds = array<i64: 512, 256>}, {transform_indices = @transform_1, window_bounds = array<i64: 512, 960>}, {pipeline_mode = #tpu.pipeline_mode<synchronous>, transform_indices = @transform_2, window_bounds = array<i64: 256, 256>}, {pipeline_mode = #tpu.pipeline_mode<synchronous>, transform_indices = @transform_3, window_bounds = array<i64: 256, 256>}, {pipeline_mode = #tpu.pipeline_mode<synchronous>, transform_indices = @transform_4, window_bounds = array<i64: 960, 256>}, {pipeline_mode = #tpu.pipeline_mode<synchronous>, transform_indices = @transform_5, window_bounds = array<i64: 960, 256>}, {pipeline_mode = #tpu.pipeline_mode<synchronous>, transform_indices = @transform_6, window_bounds = array<i64: 1, 256>}, {transform_indices = @transform_7, window_bounds = array<i64: 512, 256>}, {transform_indices = @transform_8, window_bounds = array<i64: 512, 256>}]} {
    %get3A = arith.constant 0 : index
    %get3A_0 = arith.constant 0 : index
    %get3A_1 = vector.load %arg1[%get3A, %get3A_0] : memref<512x256xf32, #tpu.memory_space<vmem>>, vector<512x256xf32>
    %get3A_2 = arith.constant 0 : index
    %get3A_3 = arith.constant 0 : index
    %get3A_4 = vector.load %arg2[%get3A_2, %get3A_3] : memref<512x960xf32, #tpu.memory_space<vmem>>, vector<512x960xf32>
    %get3A_5 = arith.constant 0 : index
    %get3A_6 = arith.constant 0 : index
    %get3A_7 = vector.load %arg3[%get3A_5, %get3A_6] : memref<256x256xf32, #tpu.memory_space<vmem>>, vector<256x256xf32>
    %dot_general3A = arith.constant dense<0.000000e+00> : vector<512x256xf32>
    %dot_general3A_8 = tpu.matmul %get3A_1, %get3A_7, %dot_general3A {dimension_numbers = #tpu.dot_dimension_numbers<[1], [0], [0], [1], [0, 0, 1, 1], [], []>, transpose_lhs_hint = false} : vector<512x256xf32>, vector<256x256xf32>, vector<512x256xf32> -> vector<512x256xf32>
    %get3A_9 = arith.constant 0 : index
    %get3A_10 = arith.constant 0 : index
    %get3A_11 = vector.load %arg5[%get3A_9, %get3A_10] : memref<960x256xf32, #tpu.memory_space<vmem>>, vector<960x256xf32>
    %dot_general3A_12 = arith.constant dense<0.000000e+00> : vector<512x256xf32>
    %dot_general3A_13 = tpu.matmul %get3A_4, %get3A_11, %dot_general3A_12 {dimension_numbers = #tpu.dot_dimension_numbers<[1], [0], [0], [1], [0, 0, 1, 1], [], []>, transpose_lhs_hint = false} : vector<512x960xf32>, vector<960x256xf32>, vector<512x256xf32> -> vector<512x256xf32>
    %add3A = arith.addf %dot_general3A_8, %dot_general3A_13 : vector<512x256xf32>
    %get3A_14 = arith.constant 0 : index
    %get3A_15 = arith.constant 0 : index
    %get3A_16 = vector.load %arg7[%get3A_14, %get3A_15] : memref<1x256xf32, #tpu.memory_space<vmem>>, vector<1x256xf32>
    %add3A_17 = vector.broadcast %get3A_16 : vector<1x256xf32> to vector<512x256xf32>
    %add3A_18 = arith.addf %add3A, %add3A_17 : vector<512x256xf32>
    %convert_element_type3A = arith.truncf %add3A_18 : vector<512x256xf32> to vector<512x256xbf16>
    %swap3A = arith.constant 0 : index
    %swap3A_19 = arith.constant 0 : index
    %swap3A_20 = vector.load %arg8[%swap3A, %swap3A_19] : memref<512x256xbf16, #tpu.memory_space<vmem>>, vector<512x256xbf16>
    tpu.vector_store %arg8[%swap3A, %swap3A_19], %convert_element_type3A {strides = array<i32>} : memref<512x256xbf16, #tpu.memory_space<vmem>>, vector<512x256xbf16>,
    %get3A_21 = arith.constant 0 : index
    %get3A_22 = arith.constant 0 : index
    %get3A_23 = vector.load %arg4[%get3A_21, %get3A_22] : memref<256x256xf32, #tpu.memory_space<vmem>>, vector<256x256xf32>
    %dot_general3A_24 = arith.constant dense<0.000000e+00> : vector<512x256xf32>
    %dot_general3A_25 = tpu.matmul %get3A_1, %get3A_23, %dot_general3A_24 {dimension_numbers = #tpu.dot_dimension_numbers<[1], [0], [0], [1], [0, 0, 1, 1], [], []>, transpose_lhs_hint = false} : vector<512x256xf32>, vector<256x256xf32>, vector<512x256xf32> -> vector<512x256xf32>
    %get3A_26 = arith.constant 0 : index
    %get3A_27 = arith.constant 0 : index
    %get3A_28 = vector.load %arg6[%get3A_26, %get3A_27] : memref<960x256xf32, #tpu.memory_space<vmem>>, vector<960x256xf32>
    %dot_general3A_29 = arith.constant dense<0.000000e+00> : vector<512x256xf32>
    %dot_general3A_30 = tpu.matmul %get3A_4, %get3A_28, %dot_general3A_29 {dimension_numbers = #tpu.dot_dimension_numbers<[1], [0], [0], [1], [0, 0, 1, 1], [], []>, transpose_lhs_hint = false} : vector<512x960xf32>, vector<960x256xf32>, vector<512x256xf32> -> vector<512x256xf32>
    %add3A_31 = arith.addf %dot_general3A_25, %dot_general3A_30 : vector<512x256xf32>
    %convert_element_type3A_32 = arith.truncf %add3A_31 : vector<512x256xf32> to vector<512x256xbf16>
    %swap3A_33 = arith.constant 0 : index
    %swap3A_34 = arith.constant 0 : index
    %swap3A_35 = vector.load %arg9[%swap3A_33, %swap3A_34] : memref<512x256xbf16, #tpu.memory_space<vmem>>, vector<512x256xbf16>
    tpu.vector_store %arg9[%swap3A_33, %swap3A_34], %convert_element_type3A_32 {strides = array<i32>} : memref<512x256xbf16, #tpu.memory_space<vmem>>, vector<512x256xbf16>,
    return
  }
  func.func @transform_0(%arg0: i32) -> (i32, i32) {
    %c0_i32 = arith.constant 0 : i32
    %c0_i32_0 = arith.constant 0 : i32
    return %arg0, %c0_i32 : i32, i32
  }
  func.func @transform_1(%arg0: i32) -> (i32, i32) {
    %c0_i32 = arith.constant 0 : i32
    %c0_i32_0 = arith.constant 0 : i32
    return %arg0, %c0_i32 : i32, i32
  }
  func.func @transform_2(%arg0: i32) -> (i32, i32) {
    %c0_i32 = arith.constant 0 : i32
    %c0_i32_0 = arith.constant 0 : i32
    %c0_i32_1 = arith.constant 0 : i32
    return %c0_i32, %c0_i32_0 : i32, i32
  }
  func.func @transform_3(%arg0: i32) -> (i32, i32) {
    %c0_i32 = arith.constant 0 : i32
    %c0_i32_0 = arith.constant 0 : i32
    %c0_i32_1 = arith.constant 0 : i32
    return %c0_i32, %c0_i32_0 : i32, i32
  }
  func.func @transform_4(%arg0: i32) -> (i32, i32) {
    %c0_i32 = arith.constant 0 : i32
    %c0_i32_0 = arith.constant 0 : i32
    %c0_i32_1 = arith.constant 0 : i32
    return %c0_i32, %c0_i32_0 : i32, i32
  }
  func.func @transform_5(%arg0: i32) -> (i32, i32) {
    %c0_i32 = arith.constant 0 : i32
    %c0_i32_0 = arith.constant 0 : i32
    %c0_i32_1 = arith.constant 0 : i32
    return %c0_i32, %c0_i32_0 : i32, i32
  }
  func.func @transform_6(%arg0: i32) -> (i32, i32) {
    %c0_i32 = arith.constant 0 : i32
    %c0_i32_0 = arith.constant 0 : i32
    %c0_i32_1 = arith.constant 0 : i32
    return %c0_i32, %c0_i32_0 : i32, i32
  }
  func.func @transform_7(%arg0: i32) -> (i32, i32) {
    %c0_i32 = arith.constant 0 : i32
    %c0_i32_0 = arith.constant 0 : i32
    return %arg0, %c0_i32 : i32, i32
  }
  func.func @transform_8(%arg0: i32) -> (i32, i32) {
    %c0_i32 = arith.constant 0 : i32
    %c0_i32_0 = arith.constant 0 : i32
    return %arg0, %c0_i32 : i32, i32
  }
}

module attributes {stable_mosaic.version = 14 : i64} {
  func.func @body(%arg0: i32, %arg1: memref<256x2048xbf16, #tpu.memory_space<vmem>>, %arg2: memref<2048x1024xbf16, #tpu.memory_space<vmem>>, %arg3: memref<256x1024xbf16, #tpu.memory_space<vmem>>, %arg4: memref<256x256xf32, #tpu.memory_space<vmem>>, %arg5: memref<1x256xf32, #tpu.memory_space<vmem>>, %arg6: memref<256x256xf32, #tpu.memory_space<vmem>>, %arg7: memref<256x1024xbf16, #tpu.memory_space<vmem>>, %arg8: memref<256x1024xbf16, #tpu.memory_space<vmem>>, %arg9: memref<256x1024xbf16, #tpu.memory_space<vmem>>) attributes {dimension_semantics = [#tpu.dimension_semantics<arbitrary>], iteration_bounds = array<i64: 8>, scalar_prefetch = 0 : i64, scratch_operands = 0 : i64, tpu.core_type = #tpu.core_type<tc>, window_params = [{transform_indices = @transform_0, window_bounds = array<i64: 256, 2048>}, {pipeline_mode = #tpu.pipeline_mode<synchronous>, transform_indices = @transform_1, window_bounds = array<i64: 2048, 1024>}, {transform_indices = @transform_2, window_bounds = array<i64: 256, 1024>}, {pipeline_mode = #tpu.pipeline_mode<synchronous>, transform_indices = @transform_3, window_bounds = array<i64: 256, 256>}, {pipeline_mode = #tpu.pipeline_mode<synchronous>, transform_indices = @transform_4, window_bounds = array<i64: 1, 256>}, {pipeline_mode = #tpu.pipeline_mode<synchronous>, transform_indices = @transform_5, window_bounds = array<i64: 256, 256>}, {transform_indices = @transform_6, window_bounds = array<i64: 256, 1024>}, {transform_indices = @transform_7, window_bounds = array<i64: 256, 1024>}, {transform_indices = @transform_8, window_bounds = array<i64: 256, 1024>}]} {
    %get3A = arith.constant 0 : index
    %get3A_0 = arith.constant 0 : index
    %get3A_1 = vector.load %arg1[%get3A, %get3A_0] : memref<256x2048xbf16, #tpu.memory_space<vmem>>, vector<256x2048xbf16>
    %get3A_2 = arith.constant 0 : index
    %get3A_3 = arith.constant 0 : index
    %get3A_4 = vector.load %arg2[%get3A_2, %get3A_3] : memref<2048x1024xbf16, #tpu.memory_space<vmem>>, vector<2048x1024xbf16>
    %dot_general3A = arith.constant dense<0.000000e+00> : vector<256x1024xf32>
    %dot_general3A_5 = tpu.matmul %get3A_1, %get3A_4, %dot_general3A {dimension_numbers = #tpu.dot_dimension_numbers<[1], [0], [0], [1], [0, 0, 1, 1], [], []>, transpose_lhs_hint = false} : vector<256x2048xbf16>, vector<2048x1024xbf16>, vector<256x1024xf32> -> vector<256x1024xf32>
    %convert_element_type3A = arith.extf %get3A_1 : vector<256x2048xbf16> to vector<256x2048xf32>
    %reduce_sum3A = arith.constant dense<0.000000e+00> : vector<256xf32>
    %reduce_sum3A_6 = vector.multi_reduction <add>, %convert_element_type3A, %reduce_sum3A [1] : vector<256x2048xf32> to vector<256xf32>
    %broadcast_in_dim3A = vector.shape_cast %reduce_sum3A_6 : vector<256xf32> to vector<256x1xf32>
    %max3A = arith.constant 1.000000e+00 : f32
    %max3A_7 = vector.broadcast %max3A : f32 to vector<256x1xf32>
    %max3A_8 = arith.maximumf %broadcast_in_dim3A, %max3A_7 : vector<256x1xf32>
    %div3A = arith.constant 1.000000e+00 : f32
    %div3A_9 = vector.broadcast %div3A : f32 to vector<256x1xf32>
    %div3A_10 = arith.divf %div3A_9, %max3A_8 : vector<256x1xf32>
    %get3A_11 = arith.constant 0 : index
    %get3A_12 = arith.constant 0 : index
    %get3A_13 = vector.load %arg3[%get3A_11, %get3A_12] : memref<256x1024xbf16, #tpu.memory_space<vmem>>, vector<256x1024xbf16>
    %convert_element_type3A_14 = arith.extf %get3A_13 : vector<256x1024xbf16> to vector<256x1024xf32>
    %mul3A = vector.broadcast %div3A_10 : vector<256x1xf32> to vector<256x1024xf32>
    %mul3A_15 = arith.mulf %dot_general3A_5, %mul3A : vector<256x1024xf32>
    %add3A = arith.addf %convert_element_type3A_14, %mul3A_15 : vector<256x1024xf32>
    %max3A_16 = arith.constant 0.000000e+00 : f32
    %max3A_17 = vector.broadcast %max3A_16 : f32 to vector<256x1024xf32>
    %max3A_18 = arith.maximumf %add3A, %max3A_17 : vector<256x1024xf32>
    %convert_element_type3A_19 = arith.truncf %max3A_18 : vector<256x1024xf32> to vector<256x1024xbf16>
    %swap3A = arith.constant 0 : index
    %swap3A_20 = arith.constant 0 : index
    %swap3A_21 = vector.load %arg7[%swap3A, %swap3A_20] : memref<256x1024xbf16, #tpu.memory_space<vmem>>, vector<256x1024xbf16>
    tpu.vector_store %arg7[%swap3A, %swap3A_20], %convert_element_type3A_19 {strides = array<i32>} : memref<256x1024xbf16, #tpu.memory_space<vmem>>, vector<256x1024xbf16>,
    %slice3A = vector.extract_strided_slice %max3A_18 {offsets = [0, 0], sizes = [256, 256], strides = [1, 1]} : vector<256x1024xf32> to vector<256x256xf32>
    %get3A_22 = arith.constant 0 : index
    %get3A_23 = arith.constant 0 : index
    %get3A_24 = vector.load %arg4[%get3A_22, %get3A_23] : memref<256x256xf32, #tpu.memory_space<vmem>>, vector<256x256xf32>
    %dot_general3A_25 = arith.constant dense<0.000000e+00> : vector<256x256xf32>
    %dot_general3A_26 = tpu.matmul %slice3A, %get3A_24, %dot_general3A_25 {dimension_numbers = #tpu.dot_dimension_numbers<[1], [0], [0], [1], [0, 0, 1, 1], [], []>, transpose_lhs_hint = false} : vector<256x256xf32>, vector<256x256xf32>, vector<256x256xf32> -> vector<256x256xf32>
    %get3A_27 = arith.constant 0 : index
    %get3A_28 = arith.constant 0 : index
    %get3A_29 = vector.load %arg5[%get3A_27, %get3A_28] : memref<1x256xf32, #tpu.memory_space<vmem>>, vector<1x256xf32>
    %add3A_30 = vector.broadcast %get3A_29 : vector<1x256xf32> to vector<256x256xf32>
    %add3A_31 = arith.addf %dot_general3A_26, %add3A_30 : vector<256x256xf32>
    %convert_element_type3A_32 = arith.truncf %add3A_31 : vector<256x256xf32> to vector<256x256xbf16>
    %slice3A_33 = vector.extract_strided_slice %max3A_18 {offsets = [0, 256], sizes = [256, 256], strides = [1, 1]} : vector<256x1024xf32> to vector<256x256xf32>
    %get3A_34 = arith.constant 0 : index
    %get3A_35 = arith.constant 0 : index
    %get3A_36 = vector.load %arg4[%get3A_34, %get3A_35] : memref<256x256xf32, #tpu.memory_space<vmem>>, vector<256x256xf32>
    %dot_general3A_37 = arith.constant dense<0.000000e+00> : vector<256x256xf32>
    %dot_general3A_38 = tpu.matmul %slice3A_33, %get3A_36, %dot_general3A_37 {dimension_numbers = #tpu.dot_dimension_numbers<[1], [0], [0], [1], [0, 0, 1, 1], [], []>, transpose_lhs_hint = false} : vector<256x256xf32>, vector<256x256xf32>, vector<256x256xf32> -> vector<256x256xf32>
    %get3A_39 = arith.constant 0 : index
    %get3A_40 = arith.constant 0 : index
    %get3A_41 = vector.load %arg5[%get3A_39, %get3A_40] : memref<1x256xf32, #tpu.memory_space<vmem>>, vector<1x256xf32>
    %add3A_42 = vector.broadcast %get3A_41 : vector<1x256xf32> to vector<256x256xf32>
    %add3A_43 = arith.addf %dot_general3A_38, %add3A_42 : vector<256x256xf32>
    %convert_element_type3A_44 = arith.truncf %add3A_43 : vector<256x256xf32> to vector<256x256xbf16>
    %slice3A_45 = vector.extract_strided_slice %max3A_18 {offsets = [0, 512], sizes = [256, 256], strides = [1, 1]} : vector<256x1024xf32> to vector<256x256xf32>
    %get3A_46 = arith.constant 0 : index
    %get3A_47 = arith.constant 0 : index
    %get3A_48 = vector.load %arg4[%get3A_46, %get3A_47] : memref<256x256xf32, #tpu.memory_space<vmem>>, vector<256x256xf32>
    %dot_general3A_49 = arith.constant dense<0.000000e+00> : vector<256x256xf32>
    %dot_general3A_50 = tpu.matmul %slice3A_45, %get3A_48, %dot_general3A_49 {dimension_numbers = #tpu.dot_dimension_numbers<[1], [0], [0], [1], [0, 0, 1, 1], [], []>, transpose_lhs_hint = false} : vector<256x256xf32>, vector<256x256xf32>, vector<256x256xf32> -> vector<256x256xf32>
    %get3A_51 = arith.constant 0 : index
    %get3A_52 = arith.constant 0 : index
    %get3A_53 = vector.load %arg5[%get3A_51, %get3A_52] : memref<1x256xf32, #tpu.memory_space<vmem>>, vector<1x256xf32>
    %add3A_54 = vector.broadcast %get3A_53 : vector<1x256xf32> to vector<256x256xf32>
    %add3A_55 = arith.addf %dot_general3A_50, %add3A_54 : vector<256x256xf32>
    %convert_element_type3A_56 = arith.truncf %add3A_55 : vector<256x256xf32> to vector<256x256xbf16>
    %slice3A_57 = vector.extract_strided_slice %max3A_18 {offsets = [0, 768], sizes = [256, 256], strides = [1, 1]} : vector<256x1024xf32> to vector<256x256xf32>
    %get3A_58 = arith.constant 0 : index
    %get3A_59 = arith.constant 0 : index
    %get3A_60 = vector.load %arg4[%get3A_58, %get3A_59] : memref<256x256xf32, #tpu.memory_space<vmem>>, vector<256x256xf32>
    %dot_general3A_61 = arith.constant dense<0.000000e+00> : vector<256x256xf32>
    %dot_general3A_62 = tpu.matmul %slice3A_57, %get3A_60, %dot_general3A_61 {dimension_numbers = #tpu.dot_dimension_numbers<[1], [0], [0], [1], [0, 0, 1, 1], [], []>, transpose_lhs_hint = false} : vector<256x256xf32>, vector<256x256xf32>, vector<256x256xf32> -> vector<256x256xf32>
    %get3A_63 = arith.constant 0 : index
    %get3A_64 = arith.constant 0 : index
    %get3A_65 = vector.load %arg5[%get3A_63, %get3A_64] : memref<1x256xf32, #tpu.memory_space<vmem>>, vector<1x256xf32>
    %add3A_66 = vector.broadcast %get3A_65 : vector<1x256xf32> to vector<256x256xf32>
    %add3A_67 = arith.addf %dot_general3A_62, %add3A_66 : vector<256x256xf32>
    %convert_element_type3A_68 = arith.truncf %add3A_67 : vector<256x256xf32> to vector<256x256xbf16>
    %concatenate3A = tpu.concatenate %convert_element_type3A_32, %convert_element_type3A_44, %convert_element_type3A_56, %convert_element_type3A_68 in 1 : vector<256x256xbf16>, vector<256x256xbf16>, vector<256x256xbf16>, vector<256x256xbf16> -> vector<256x1024xbf16>
    %swap3A_69 = arith.constant 0 : index
    %swap3A_70 = arith.constant 0 : index
    %swap3A_71 = vector.load %arg8[%swap3A_69, %swap3A_70] : memref<256x1024xbf16, #tpu.memory_space<vmem>>, vector<256x1024xbf16>
    tpu.vector_store %arg8[%swap3A_69, %swap3A_70], %concatenate3A {strides = array<i32>} : memref<256x1024xbf16, #tpu.memory_space<vmem>>, vector<256x1024xbf16>,
    %slice3A_72 = vector.extract_strided_slice %max3A_18 {offsets = [0, 0], sizes = [256, 256], strides = [1, 1]} : vector<256x1024xf32> to vector<256x256xf32>
    %get3A_73 = arith.constant 0 : index
    %get3A_74 = arith.constant 0 : index
    %get3A_75 = vector.load %arg6[%get3A_73, %get3A_74] : memref<256x256xf32, #tpu.memory_space<vmem>>, vector<256x256xf32>
    %dot_general3A_76 = arith.constant dense<0.000000e+00> : vector<256x256xf32>
    %dot_general3A_77 = tpu.matmul %slice3A_72, %get3A_75, %dot_general3A_76 {dimension_numbers = #tpu.dot_dimension_numbers<[1], [0], [0], [1], [0, 0, 1, 1], [], []>, transpose_lhs_hint = false} : vector<256x256xf32>, vector<256x256xf32>, vector<256x256xf32> -> vector<256x256xf32>
    %convert_element_type3A_78 = arith.truncf %dot_general3A_77 : vector<256x256xf32> to vector<256x256xbf16>
    %slice3A_79 = vector.extract_strided_slice %max3A_18 {offsets = [0, 256], sizes = [256, 256], strides = [1, 1]} : vector<256x1024xf32> to vector<256x256xf32>
    %get3A_80 = arith.constant 0 : index
    %get3A_81 = arith.constant 0 : index
    %get3A_82 = vector.load %arg6[%get3A_80, %get3A_81] : memref<256x256xf32, #tpu.memory_space<vmem>>, vector<256x256xf32>
    %dot_general3A_83 = arith.constant dense<0.000000e+00> : vector<256x256xf32>
    %dot_general3A_84 = tpu.matmul %slice3A_79, %get3A_82, %dot_general3A_83 {dimension_numbers = #tpu.dot_dimension_numbers<[1], [0], [0], [1], [0, 0, 1, 1], [], []>, transpose_lhs_hint = false} : vector<256x256xf32>, vector<256x256xf32>, vector<256x256xf32> -> vector<256x256xf32>
    %convert_element_type3A_85 = arith.truncf %dot_general3A_84 : vector<256x256xf32> to vector<256x256xbf16>
    %slice3A_86 = vector.extract_strided_slice %max3A_18 {offsets = [0, 512], sizes = [256, 256], strides = [1, 1]} : vector<256x1024xf32> to vector<256x256xf32>
    %get3A_87 = arith.constant 0 : index
    %get3A_88 = arith.constant 0 : index
    %get3A_89 = vector.load %arg6[%get3A_87, %get3A_88] : memref<256x256xf32, #tpu.memory_space<vmem>>, vector<256x256xf32>
    %dot_general3A_90 = arith.constant dense<0.000000e+00> : vector<256x256xf32>
    %dot_general3A_91 = tpu.matmul %slice3A_86, %get3A_89, %dot_general3A_90 {dimension_numbers = #tpu.dot_dimension_numbers<[1], [0], [0], [1], [0, 0, 1, 1], [], []>, transpose_lhs_hint = false} : vector<256x256xf32>, vector<256x256xf32>, vector<256x256xf32> -> vector<256x256xf32>
    %convert_element_type3A_92 = arith.truncf %dot_general3A_91 : vector<256x256xf32> to vector<256x256xbf16>
    %slice3A_93 = vector.extract_strided_slice %max3A_18 {offsets = [0, 768], sizes = [256, 256], strides = [1, 1]} : vector<256x1024xf32> to vector<256x256xf32>
    %get3A_94 = arith.constant 0 : index
    %get3A_95 = arith.constant 0 : index
    %get3A_96 = vector.load %arg6[%get3A_94, %get3A_95] : memref<256x256xf32, #tpu.memory_space<vmem>>, vector<256x256xf32>
    %dot_general3A_97 = arith.constant dense<0.000000e+00> : vector<256x256xf32>
    %dot_general3A_98 = tpu.matmul %slice3A_93, %get3A_96, %dot_general3A_97 {dimension_numbers = #tpu.dot_dimension_numbers<[1], [0], [0], [1], [0, 0, 1, 1], [], []>, transpose_lhs_hint = false} : vector<256x256xf32>, vector<256x256xf32>, vector<256x256xf32> -> vector<256x256xf32>
    %convert_element_type3A_99 = arith.truncf %dot_general3A_98 : vector<256x256xf32> to vector<256x256xbf16>
    %concatenate3A_100 = tpu.concatenate %convert_element_type3A_78, %convert_element_type3A_85, %convert_element_type3A_92, %convert_element_type3A_99 in 1 : vector<256x256xbf16>, vector<256x256xbf16>, vector<256x256xbf16>, vector<256x256xbf16> -> vector<256x1024xbf16>
    %swap3A_101 = arith.constant 0 : index
    %swap3A_102 = arith.constant 0 : index
    %swap3A_103 = vector.load %arg9[%swap3A_101, %swap3A_102] : memref<256x1024xbf16, #tpu.memory_space<vmem>>, vector<256x1024xbf16>
    tpu.vector_store %arg9[%swap3A_101, %swap3A_102], %concatenate3A_100 {strides = array<i32>} : memref<256x1024xbf16, #tpu.memory_space<vmem>>, vector<256x1024xbf16>,
    return
  }
  func.func @transform_0(%arg0: i32) -> (i32, i32) {
    %c0_i32 = arith.constant 0 : i32
    %c0_i32_0 = arith.constant 0 : i32
    return %arg0, %c0_i32 : i32, i32
  }
  func.func @transform_1(%arg0: i32) -> (i32, i32) {
    %c0_i32 = arith.constant 0 : i32
    %c0_i32_0 = arith.constant 0 : i32
    %c0_i32_1 = arith.constant 0 : i32
    return %c0_i32, %c0_i32_0 : i32, i32
  }
  func.func @transform_2(%arg0: i32) -> (i32, i32) {
    %c0_i32 = arith.constant 0 : i32
    %c0_i32_0 = arith.constant 0 : i32
    return %arg0, %c0_i32 : i32, i32
  }
  func.func @transform_3(%arg0: i32) -> (i32, i32) {
    %c0_i32 = arith.constant 0 : i32
    %c0_i32_0 = arith.constant 0 : i32
    %c0_i32_1 = arith.constant 0 : i32
    return %c0_i32, %c0_i32_0 : i32, i32
  }
  func.func @transform_4(%arg0: i32) -> (i32, i32) {
    %c0_i32 = arith.constant 0 : i32
    %c0_i32_0 = arith.constant 0 : i32
    %c0_i32_1 = arith.constant 0 : i32
    return %c0_i32, %c0_i32_0 : i32, i32
  }
  func.func @transform_5(%arg0: i32) -> (i32, i32) {
    %c0_i32 = arith.constant 0 : i32
    %c0_i32_0 = arith.constant 0 : i32
    %c0_i32_1 = arith.constant 0 : i32
    return %c0_i32, %c0_i32_0 : i32, i32
  }
  func.func @transform_6(%arg0: i32) -> (i32, i32) {
    %c0_i32 = arith.constant 0 : i32
    %c0_i32_0 = arith.constant 0 : i32
    return %arg0, %c0_i32 : i32, i32
  }
  func.func @transform_7(%arg0: i32) -> (i32, i32) {
    %c0_i32 = arith.constant 0 : i32
    %c0_i32_0 = arith.constant 0 : i32
    return %arg0, %c0_i32 : i32, i32
  }
  func.func @transform_8(%arg0: i32) -> (i32, i32) {
    %c0_i32 = arith.constant 0 : i32
    %c0_i32_0 = arith.constant 0 : i32
    return %arg0, %c0_i32 : i32, i32
  }
}

module attributes {stable_mosaic.version = 14 : i64} {
  func.func @body(%arg0: i32, %arg1: memref<256x2048xbf16, #tpu.memory_space<vmem>>, %arg2: memref<2048x1024xbf16, #tpu.memory_space<vmem>>, %arg3: memref<256x1024xbf16, #tpu.memory_space<vmem>>, %arg4: memref<256x256xf32, #tpu.memory_space<vmem>>, %arg5: memref<1x256xf32, #tpu.memory_space<vmem>>, %arg6: memref<256x256xf32, #tpu.memory_space<vmem>>, %arg7: memref<256x1024xbf16, #tpu.memory_space<vmem>>, %arg8: memref<256x1024xbf16, #tpu.memory_space<vmem>>) attributes {dimension_semantics = [#tpu.dimension_semantics<arbitrary>], iteration_bounds = array<i64: 8>, scalar_prefetch = 0 : i64, scratch_operands = 0 : i64, tpu.core_type = #tpu.core_type<tc>, window_params = [{transform_indices = @transform_0, window_bounds = array<i64: 256, 2048>}, {pipeline_mode = #tpu.pipeline_mode<synchronous>, transform_indices = @transform_1, window_bounds = array<i64: 2048, 1024>}, {transform_indices = @transform_2, window_bounds = array<i64: 256, 1024>}, {pipeline_mode = #tpu.pipeline_mode<synchronous>, transform_indices = @transform_3, window_bounds = array<i64: 256, 256>}, {pipeline_mode = #tpu.pipeline_mode<synchronous>, transform_indices = @transform_4, window_bounds = array<i64: 1, 256>}, {pipeline_mode = #tpu.pipeline_mode<synchronous>, transform_indices = @transform_5, window_bounds = array<i64: 256, 256>}, {transform_indices = @transform_6, window_bounds = array<i64: 256, 1024>}, {transform_indices = @transform_7, window_bounds = array<i64: 256, 1024>}]} {
    %get3A = arith.constant 0 : index
    %get3A_0 = arith.constant 0 : index
    %get3A_1 = vector.load %arg1[%get3A, %get3A_0] : memref<256x2048xbf16, #tpu.memory_space<vmem>>, vector<256x2048xbf16>
    %get3A_2 = arith.constant 0 : index
    %get3A_3 = arith.constant 0 : index
    %get3A_4 = vector.load %arg2[%get3A_2, %get3A_3] : memref<2048x1024xbf16, #tpu.memory_space<vmem>>, vector<2048x1024xbf16>
    %dot_general3A = arith.constant dense<0.000000e+00> : vector<256x1024xf32>
    %dot_general3A_5 = tpu.matmul %get3A_1, %get3A_4, %dot_general3A {dimension_numbers = #tpu.dot_dimension_numbers<[1], [0], [0], [1], [0, 0, 1, 1], [], []>, transpose_lhs_hint = false} : vector<256x2048xbf16>, vector<2048x1024xbf16>, vector<256x1024xf32> -> vector<256x1024xf32>
    %convert_element_type3A = arith.extf %get3A_1 : vector<256x2048xbf16> to vector<256x2048xf32>
    %reduce_sum3A = arith.constant dense<0.000000e+00> : vector<256xf32>
    %reduce_sum3A_6 = vector.multi_reduction <add>, %convert_element_type3A, %reduce_sum3A [1] : vector<256x2048xf32> to vector<256xf32>
    %broadcast_in_dim3A = vector.shape_cast %reduce_sum3A_6 : vector<256xf32> to vector<256x1xf32>
    %max3A = arith.constant 1.000000e+00 : f32
    %max3A_7 = vector.broadcast %max3A : f32 to vector<256x1xf32>
    %max3A_8 = arith.maximumf %broadcast_in_dim3A, %max3A_7 : vector<256x1xf32>
    %div3A = arith.constant 1.000000e+00 : f32
    %div3A_9 = vector.broadcast %div3A : f32 to vector<256x1xf32>
    %div3A_10 = arith.divf %div3A_9, %max3A_8 : vector<256x1xf32>
    %get3A_11 = arith.constant 0 : index
    %get3A_12 = arith.constant 0 : index
    %get3A_13 = vector.load %arg3[%get3A_11, %get3A_12] : memref<256x1024xbf16, #tpu.memory_space<vmem>>, vector<256x1024xbf16>
    %convert_element_type3A_14 = arith.extf %get3A_13 : vector<256x1024xbf16> to vector<256x1024xf32>
    %mul3A = vector.broadcast %div3A_10 : vector<256x1xf32> to vector<256x1024xf32>
    %mul3A_15 = arith.mulf %dot_general3A_5, %mul3A : vector<256x1024xf32>
    %add3A = arith.addf %convert_element_type3A_14, %mul3A_15 : vector<256x1024xf32>
    %max3A_16 = arith.constant 0.000000e+00 : f32
    %max3A_17 = vector.broadcast %max3A_16 : f32 to vector<256x1024xf32>
    %max3A_18 = arith.maximumf %add3A, %max3A_17 : vector<256x1024xf32>
    %slice3A = vector.extract_strided_slice %max3A_18 {offsets = [0, 0], sizes = [256, 256], strides = [1, 1]} : vector<256x1024xf32> to vector<256x256xf32>
    %get3A_19 = arith.constant 0 : index
    %get3A_20 = arith.constant 0 : index
    %get3A_21 = vector.load %arg4[%get3A_19, %get3A_20] : memref<256x256xf32, #tpu.memory_space<vmem>>, vector<256x256xf32>
    %dot_general3A_22 = arith.constant dense<0.000000e+00> : vector<256x256xf32>
    %dot_general3A_23 = tpu.matmul %slice3A, %get3A_21, %dot_general3A_22 {dimension_numbers = #tpu.dot_dimension_numbers<[1], [0], [0], [1], [0, 0, 1, 1], [], []>, transpose_lhs_hint = false} : vector<256x256xf32>, vector<256x256xf32>, vector<256x256xf32> -> vector<256x256xf32>
    %get3A_24 = arith.constant 0 : index
    %get3A_25 = arith.constant 0 : index
    %get3A_26 = vector.load %arg5[%get3A_24, %get3A_25] : memref<1x256xf32, #tpu.memory_space<vmem>>, vector<1x256xf32>
    %add3A_27 = vector.broadcast %get3A_26 : vector<1x256xf32> to vector<256x256xf32>
    %add3A_28 = arith.addf %dot_general3A_23, %add3A_27 : vector<256x256xf32>
    %convert_element_type3A_29 = arith.truncf %add3A_28 : vector<256x256xf32> to vector<256x256xbf16>
    %slice3A_30 = vector.extract_strided_slice %max3A_18 {offsets = [0, 256], sizes = [256, 256], strides = [1, 1]} : vector<256x1024xf32> to vector<256x256xf32>
    %get3A_31 = arith.constant 0 : index
    %get3A_32 = arith.constant 0 : index
    %get3A_33 = vector.load %arg4[%get3A_31, %get3A_32] : memref<256x256xf32, #tpu.memory_space<vmem>>, vector<256x256xf32>
    %dot_general3A_34 = arith.constant dense<0.000000e+00> : vector<256x256xf32>
    %dot_general3A_35 = tpu.matmul %slice3A_30, %get3A_33, %dot_general3A_34 {dimension_numbers = #tpu.dot_dimension_numbers<[1], [0], [0], [1], [0, 0, 1, 1], [], []>, transpose_lhs_hint = false} : vector<256x256xf32>, vector<256x256xf32>, vector<256x256xf32> -> vector<256x256xf32>
    %get3A_36 = arith.constant 0 : index
    %get3A_37 = arith.constant 0 : index
    %get3A_38 = vector.load %arg5[%get3A_36, %get3A_37] : memref<1x256xf32, #tpu.memory_space<vmem>>, vector<1x256xf32>
    %add3A_39 = vector.broadcast %get3A_38 : vector<1x256xf32> to vector<256x256xf32>
    %add3A_40 = arith.addf %dot_general3A_35, %add3A_39 : vector<256x256xf32>
    %convert_element_type3A_41 = arith.truncf %add3A_40 : vector<256x256xf32> to vector<256x256xbf16>
    %slice3A_42 = vector.extract_strided_slice %max3A_18 {offsets = [0, 512], sizes = [256, 256], strides = [1, 1]} : vector<256x1024xf32> to vector<256x256xf32>
    %get3A_43 = arith.constant 0 : index
    %get3A_44 = arith.constant 0 : index
    %get3A_45 = vector.load %arg4[%get3A_43, %get3A_44] : memref<256x256xf32, #tpu.memory_space<vmem>>, vector<256x256xf32>
    %dot_general3A_46 = arith.constant dense<0.000000e+00> : vector<256x256xf32>
    %dot_general3A_47 = tpu.matmul %slice3A_42, %get3A_45, %dot_general3A_46 {dimension_numbers = #tpu.dot_dimension_numbers<[1], [0], [0], [1], [0, 0, 1, 1], [], []>, transpose_lhs_hint = false} : vector<256x256xf32>, vector<256x256xf32>, vector<256x256xf32> -> vector<256x256xf32>
    %get3A_48 = arith.constant 0 : index
    %get3A_49 = arith.constant 0 : index
    %get3A_50 = vector.load %arg5[%get3A_48, %get3A_49] : memref<1x256xf32, #tpu.memory_space<vmem>>, vector<1x256xf32>
    %add3A_51 = vector.broadcast %get3A_50 : vector<1x256xf32> to vector<256x256xf32>
    %add3A_52 = arith.addf %dot_general3A_47, %add3A_51 : vector<256x256xf32>
    %convert_element_type3A_53 = arith.truncf %add3A_52 : vector<256x256xf32> to vector<256x256xbf16>
    %slice3A_54 = vector.extract_strided_slice %max3A_18 {offsets = [0, 768], sizes = [256, 256], strides = [1, 1]} : vector<256x1024xf32> to vector<256x256xf32>
    %get3A_55 = arith.constant 0 : index
    %get3A_56 = arith.constant 0 : index
    %get3A_57 = vector.load %arg4[%get3A_55, %get3A_56] : memref<256x256xf32, #tpu.memory_space<vmem>>, vector<256x256xf32>
    %dot_general3A_58 = arith.constant dense<0.000000e+00> : vector<256x256xf32>
    %dot_general3A_59 = tpu.matmul %slice3A_54, %get3A_57, %dot_general3A_58 {dimension_numbers = #tpu.dot_dimension_numbers<[1], [0], [0], [1], [0, 0, 1, 1], [], []>, transpose_lhs_hint = false} : vector<256x256xf32>, vector<256x256xf32>, vector<256x256xf32> -> vector<256x256xf32>
    %get3A_60 = arith.constant 0 : index
    %get3A_61 = arith.constant 0 : index
    %get3A_62 = vector.load %arg5[%get3A_60, %get3A_61] : memref<1x256xf32, #tpu.memory_space<vmem>>, vector<1x256xf32>
    %add3A_63 = vector.broadcast %get3A_62 : vector<1x256xf32> to vector<256x256xf32>
    %add3A_64 = arith.addf %dot_general3A_59, %add3A_63 : vector<256x256xf32>
    %convert_element_type3A_65 = arith.truncf %add3A_64 : vector<256x256xf32> to vector<256x256xbf16>
    %concatenate3A = tpu.concatenate %convert_element_type3A_29, %convert_element_type3A_41, %convert_element_type3A_53, %convert_element_type3A_65 in 1 : vector<256x256xbf16>, vector<256x256xbf16>, vector<256x256xbf16>, vector<256x256xbf16> -> vector<256x1024xbf16>
    %swap3A = arith.constant 0 : index
    %swap3A_66 = arith.constant 0 : index
    %swap3A_67 = vector.load %arg7[%swap3A, %swap3A_66] : memref<256x1024xbf16, #tpu.memory_space<vmem>>, vector<256x1024xbf16>
    tpu.vector_store %arg7[%swap3A, %swap3A_66], %concatenate3A {strides = array<i32>} : memref<256x1024xbf16, #tpu.memory_space<vmem>>, vector<256x1024xbf16>,
    %slice3A_68 = vector.extract_strided_slice %max3A_18 {offsets = [0, 0], sizes = [256, 256], strides = [1, 1]} : vector<256x1024xf32> to vector<256x256xf32>
    %get3A_69 = arith.constant 0 : index
    %get3A_70 = arith.constant 0 : index
    %get3A_71 = vector.load %arg6[%get3A_69, %get3A_70] : memref<256x256xf32, #tpu.memory_space<vmem>>, vector<256x256xf32>
    %dot_general3A_72 = arith.constant dense<0.000000e+00> : vector<256x256xf32>
    %dot_general3A_73 = tpu.matmul %slice3A_68, %get3A_71, %dot_general3A_72 {dimension_numbers = #tpu.dot_dimension_numbers<[1], [0], [0], [1], [0, 0, 1, 1], [], []>, transpose_lhs_hint = false} : vector<256x256xf32>, vector<256x256xf32>, vector<256x256xf32> -> vector<256x256xf32>
    %convert_element_type3A_74 = arith.truncf %dot_general3A_73 : vector<256x256xf32> to vector<256x256xbf16>
    %slice3A_75 = vector.extract_strided_slice %max3A_18 {offsets = [0, 256], sizes = [256, 256], strides = [1, 1]} : vector<256x1024xf32> to vector<256x256xf32>
    %get3A_76 = arith.constant 0 : index
    %get3A_77 = arith.constant 0 : index
    %get3A_78 = vector.load %arg6[%get3A_76, %get3A_77] : memref<256x256xf32, #tpu.memory_space<vmem>>, vector<256x256xf32>
    %dot_general3A_79 = arith.constant dense<0.000000e+00> : vector<256x256xf32>
    %dot_general3A_80 = tpu.matmul %slice3A_75, %get3A_78, %dot_general3A_79 {dimension_numbers = #tpu.dot_dimension_numbers<[1], [0], [0], [1], [0, 0, 1, 1], [], []>, transpose_lhs_hint = false} : vector<256x256xf32>, vector<256x256xf32>, vector<256x256xf32> -> vector<256x256xf32>
    %convert_element_type3A_81 = arith.truncf %dot_general3A_80 : vector<256x256xf32> to vector<256x256xbf16>
    %slice3A_82 = vector.extract_strided_slice %max3A_18 {offsets = [0, 512], sizes = [256, 256], strides = [1, 1]} : vector<256x1024xf32> to vector<256x256xf32>
    %get3A_83 = arith.constant 0 : index
    %get3A_84 = arith.constant 0 : index
    %get3A_85 = vector.load %arg6[%get3A_83, %get3A_84] : memref<256x256xf32, #tpu.memory_space<vmem>>, vector<256x256xf32>
    %dot_general3A_86 = arith.constant dense<0.000000e+00> : vector<256x256xf32>
    %dot_general3A_87 = tpu.matmul %slice3A_82, %get3A_85, %dot_general3A_86 {dimension_numbers = #tpu.dot_dimension_numbers<[1], [0], [0], [1], [0, 0, 1, 1], [], []>, transpose_lhs_hint = false} : vector<256x256xf32>, vector<256x256xf32>, vector<256x256xf32> -> vector<256x256xf32>
    %convert_element_type3A_88 = arith.truncf %dot_general3A_87 : vector<256x256xf32> to vector<256x256xbf16>
    %slice3A_89 = vector.extract_strided_slice %max3A_18 {offsets = [0, 768], sizes = [256, 256], strides = [1, 1]} : vector<256x1024xf32> to vector<256x256xf32>
    %get3A_90 = arith.constant 0 : index
    %get3A_91 = arith.constant 0 : index
    %get3A_92 = vector.load %arg6[%get3A_90, %get3A_91] : memref<256x256xf32, #tpu.memory_space<vmem>>, vector<256x256xf32>
    %dot_general3A_93 = arith.constant dense<0.000000e+00> : vector<256x256xf32>
    %dot_general3A_94 = tpu.matmul %slice3A_89, %get3A_92, %dot_general3A_93 {dimension_numbers = #tpu.dot_dimension_numbers<[1], [0], [0], [1], [0, 0, 1, 1], [], []>, transpose_lhs_hint = false} : vector<256x256xf32>, vector<256x256xf32>, vector<256x256xf32> -> vector<256x256xf32>
    %convert_element_type3A_95 = arith.truncf %dot_general3A_94 : vector<256x256xf32> to vector<256x256xbf16>
    %concatenate3A_96 = tpu.concatenate %convert_element_type3A_74, %convert_element_type3A_81, %convert_element_type3A_88, %convert_element_type3A_95 in 1 : vector<256x256xbf16>, vector<256x256xbf16>, vector<256x256xbf16>, vector<256x256xbf16> -> vector<256x1024xbf16>
    %swap3A_97 = arith.constant 0 : index
    %swap3A_98 = arith.constant 0 : index
    %swap3A_99 = vector.load %arg8[%swap3A_97, %swap3A_98] : memref<256x1024xbf16, #tpu.memory_space<vmem>>, vector<256x1024xbf16>
    tpu.vector_store %arg8[%swap3A_97, %swap3A_98], %concatenate3A_96 {strides = array<i32>} : memref<256x1024xbf16, #tpu.memory_space<vmem>>, vector<256x1024xbf16>,
    return
  }
  func.func @transform_0(%arg0: i32) -> (i32, i32) {
    %c0_i32 = arith.constant 0 : i32
    %c0_i32_0 = arith.constant 0 : i32
    return %arg0, %c0_i32 : i32, i32
  }
  func.func @transform_1(%arg0: i32) -> (i32, i32) {
    %c0_i32 = arith.constant 0 : i32
    %c0_i32_0 = arith.constant 0 : i32
    %c0_i32_1 = arith.constant 0 : i32
    return %c0_i32, %c0_i32_0 : i32, i32
  }
  func.func @transform_2(%arg0: i32) -> (i32, i32) {
    %c0_i32 = arith.constant 0 : i32
    %c0_i32_0 = arith.constant 0 : i32
    return %arg0, %c0_i32 : i32, i32
  }
  func.func @transform_3(%arg0: i32) -> (i32, i32) {
    %c0_i32 = arith.constant 0 : i32
    %c0_i32_0 = arith.constant 0 : i32
    %c0_i32_1 = arith.constant 0 : i32
    return %c0_i32, %c0_i32_0 : i32, i32
  }
  func.func @transform_4(%arg0: i32) -> (i32, i32) {
    %c0_i32 = arith.constant 0 : i32
    %c0_i32_0 = arith.constant 0 : i32
    %c0_i32_1 = arith.constant 0 : i32
    return %c0_i32, %c0_i32_0 : i32, i32
  }
  func.func @transform_5(%arg0: i32) -> (i32, i32) {
    %c0_i32 = arith.constant 0 : i32
    %c0_i32_0 = arith.constant 0 : i32
    %c0_i32_1 = arith.constant 0 : i32
    return %c0_i32, %c0_i32_0 : i32, i32
  }
  func.func @transform_6(%arg0: i32) -> (i32, i32) {
    %c0_i32 = arith.constant 0 : i32
    %c0_i32_0 = arith.constant 0 : i32
    return %arg0, %c0_i32 : i32, i32
  }
  func.func @transform_7(%arg0: i32) -> (i32, i32) {
    %c0_i32 = arith.constant 0 : i32
    %c0_i32_0 = arith.constant 0 : i32
    return %arg0, %c0_i32 : i32, i32
  }
}

module attributes {stable_mosaic.version = 14 : i64} {
  func.func @body(%arg0: i32, %arg1: memref<256x2048xbf16, #tpu.memory_space<vmem>>, %arg2: memref<2048x1024xbf16, #tpu.memory_space<vmem>>, %arg3: memref<256x1024xbf16, #tpu.memory_space<vmem>>, %arg4: memref<256x1024xbf16, #tpu.memory_space<vmem>>, %arg5: memref<256x256xf32, #tpu.memory_space<vmem>>, %arg6: memref<1x256xf32, #tpu.memory_space<vmem>>, %arg7: memref<256x256xf32, #tpu.memory_space<vmem>>, %arg8: memref<256x1024xbf16, #tpu.memory_space<vmem>>, %arg9: memref<256x1024xbf16, #tpu.memory_space<vmem>>, %arg10: memref<256x1024xbf16, #tpu.memory_space<vmem>>) attributes {dimension_semantics = [#tpu.dimension_semantics<arbitrary>], iteration_bounds = array<i64: 8>, scalar_prefetch = 0 : i64, scratch_operands = 0 : i64, tpu.core_type = #tpu.core_type<tc>, window_params = [{transform_indices = @transform_0, window_bounds = array<i64: 256, 2048>}, {pipeline_mode = #tpu.pipeline_mode<synchronous>, transform_indices = @transform_1, window_bounds = array<i64: 2048, 1024>}, {transform_indices = @transform_2, window_bounds = array<i64: 256, 1024>}, {transform_indices = @transform_3, window_bounds = array<i64: 256, 1024>}, {pipeline_mode = #tpu.pipeline_mode<synchronous>, transform_indices = @transform_4, window_bounds = array<i64: 256, 256>}, {pipeline_mode = #tpu.pipeline_mode<synchronous>, transform_indices = @transform_5, window_bounds = array<i64: 1, 256>}, {pipeline_mode = #tpu.pipeline_mode<synchronous>, transform_indices = @transform_6, window_bounds = array<i64: 256, 256>}, {transform_indices = @transform_7, window_bounds = array<i64: 256, 1024>}, {transform_indices = @transform_8, window_bounds = array<i64: 256, 1024>}, {transform_indices = @transform_9, window_bounds = array<i64: 256, 1024>}]} {
    %get3A = arith.constant 0 : index
    %get3A_0 = arith.constant 0 : index
    %get3A_1 = vector.load %arg1[%get3A, %get3A_0] : memref<256x2048xbf16, #tpu.memory_space<vmem>>, vector<256x2048xbf16>
    %get3A_2 = arith.constant 0 : index
    %get3A_3 = arith.constant 0 : index
    %get3A_4 = vector.load %arg2[%get3A_2, %get3A_3] : memref<2048x1024xbf16, #tpu.memory_space<vmem>>, vector<2048x1024xbf16>
    %dot_general3A = arith.constant dense<0.000000e+00> : vector<256x1024xf32>
    %dot_general3A_5 = tpu.matmul %get3A_1, %get3A_4, %dot_general3A {dimension_numbers = #tpu.dot_dimension_numbers<[1], [0], [0], [1], [0, 0, 1, 1], [], []>, transpose_lhs_hint = false} : vector<256x2048xbf16>, vector<2048x1024xbf16>, vector<256x1024xf32> -> vector<256x1024xf32>
    %convert_element_type3A = arith.extf %get3A_1 : vector<256x2048xbf16> to vector<256x2048xf32>
    %reduce_sum3A = arith.constant dense<0.000000e+00> : vector<256xf32>
    %reduce_sum3A_6 = vector.multi_reduction <add>, %convert_element_type3A, %reduce_sum3A [1] : vector<256x2048xf32> to vector<256xf32>
    %broadcast_in_dim3A = vector.shape_cast %reduce_sum3A_6 : vector<256xf32> to vector<256x1xf32>
    %max3A = arith.constant 1.000000e+00 : f32
    %max3A_7 = vector.broadcast %max3A : f32 to vector<256x1xf32>
    %max3A_8 = arith.maximumf %broadcast_in_dim3A, %max3A_7 : vector<256x1xf32>
    %div3A = arith.constant 1.000000e+00 : f32
    %div3A_9 = vector.broadcast %div3A : f32 to vector<256x1xf32>
    %div3A_10 = arith.divf %div3A_9, %max3A_8 : vector<256x1xf32>
    %get3A_11 = arith.constant 0 : index
    %get3A_12 = arith.constant 0 : index
    %get3A_13 = vector.load %arg3[%get3A_11, %get3A_12] : memref<256x1024xbf16, #tpu.memory_space<vmem>>, vector<256x1024xbf16>
    %convert_element_type3A_14 = arith.extf %get3A_13 : vector<256x1024xbf16> to vector<256x1024xf32>
    %mul3A = vector.broadcast %div3A_10 : vector<256x1xf32> to vector<256x1024xf32>
    %mul3A_15 = arith.mulf %dot_general3A_5, %mul3A : vector<256x1024xf32>
    %add3A = arith.addf %convert_element_type3A_14, %mul3A_15 : vector<256x1024xf32>
    %get3A_16 = arith.constant 0 : index
    %get3A_17 = arith.constant 0 : index
    %get3A_18 = vector.load %arg4[%get3A_16, %get3A_17] : memref<256x1024xbf16, #tpu.memory_space<vmem>>, vector<256x1024xbf16>
    %convert_element_type3A_19 = arith.extf %get3A_18 : vector<256x1024xbf16> to vector<256x1024xf32>
    %add3A_20 = arith.addf %convert_element_type3A_19, %add3A : vector<256x1024xf32>
    %max3A_21 = arith.constant 0.000000e+00 : f32
    %max3A_22 = vector.broadcast %max3A_21 : f32 to vector<256x1024xf32>
    %max3A_23 = arith.maximumf %add3A_20, %max3A_22 : vector<256x1024xf32>
    %convert_element_type3A_24 = arith.truncf %max3A_23 : vector<256x1024xf32> to vector<256x1024xbf16>
    %swap3A = arith.constant 0 : index
    %swap3A_25 = arith.constant 0 : index
    %swap3A_26 = vector.load %arg8[%swap3A, %swap3A_25] : memref<256x1024xbf16, #tpu.memory_space<vmem>>, vector<256x1024xbf16>
    tpu.vector_store %arg8[%swap3A, %swap3A_25], %convert_element_type3A_24 {strides = array<i32>} : memref<256x1024xbf16, #tpu.memory_space<vmem>>, vector<256x1024xbf16>,
    %slice3A = vector.extract_strided_slice %max3A_23 {offsets = [0, 0], sizes = [256, 256], strides = [1, 1]} : vector<256x1024xf32> to vector<256x256xf32>
    %get3A_27 = arith.constant 0 : index
    %get3A_28 = arith.constant 0 : index
    %get3A_29 = vector.load %arg5[%get3A_27, %get3A_28] : memref<256x256xf32, #tpu.memory_space<vmem>>, vector<256x256xf32>
    %dot_general3A_30 = arith.constant dense<0.000000e+00> : vector<256x256xf32>
    %dot_general3A_31 = tpu.matmul %slice3A, %get3A_29, %dot_general3A_30 {dimension_numbers = #tpu.dot_dimension_numbers<[1], [0], [0], [1], [0, 0, 1, 1], [], []>, transpose_lhs_hint = false} : vector<256x256xf32>, vector<256x256xf32>, vector<256x256xf32> -> vector<256x256xf32>
    %get3A_32 = arith.constant 0 : index
    %get3A_33 = arith.constant 0 : index
    %get3A_34 = vector.load %arg6[%get3A_32, %get3A_33] : memref<1x256xf32, #tpu.memory_space<vmem>>, vector<1x256xf32>
    %add3A_35 = vector.broadcast %get3A_34 : vector<1x256xf32> to vector<256x256xf32>
    %add3A_36 = arith.addf %dot_general3A_31, %add3A_35 : vector<256x256xf32>
    %convert_element_type3A_37 = arith.truncf %add3A_36 : vector<256x256xf32> to vector<256x256xbf16>
    %slice3A_38 = vector.extract_strided_slice %max3A_23 {offsets = [0, 256], sizes = [256, 256], strides = [1, 1]} : vector<256x1024xf32> to vector<256x256xf32>
    %get3A_39 = arith.constant 0 : index
    %get3A_40 = arith.constant 0 : index
    %get3A_41 = vector.load %arg5[%get3A_39, %get3A_40] : memref<256x256xf32, #tpu.memory_space<vmem>>, vector<256x256xf32>
    %dot_general3A_42 = arith.constant dense<0.000000e+00> : vector<256x256xf32>
    %dot_general3A_43 = tpu.matmul %slice3A_38, %get3A_41, %dot_general3A_42 {dimension_numbers = #tpu.dot_dimension_numbers<[1], [0], [0], [1], [0, 0, 1, 1], [], []>, transpose_lhs_hint = false} : vector<256x256xf32>, vector<256x256xf32>, vector<256x256xf32> -> vector<256x256xf32>
    %get3A_44 = arith.constant 0 : index
    %get3A_45 = arith.constant 0 : index
    %get3A_46 = vector.load %arg6[%get3A_44, %get3A_45] : memref<1x256xf32, #tpu.memory_space<vmem>>, vector<1x256xf32>
    %add3A_47 = vector.broadcast %get3A_46 : vector<1x256xf32> to vector<256x256xf32>
    %add3A_48 = arith.addf %dot_general3A_43, %add3A_47 : vector<256x256xf32>
    %convert_element_type3A_49 = arith.truncf %add3A_48 : vector<256x256xf32> to vector<256x256xbf16>
    %slice3A_50 = vector.extract_strided_slice %max3A_23 {offsets = [0, 512], sizes = [256, 256], strides = [1, 1]} : vector<256x1024xf32> to vector<256x256xf32>
    %get3A_51 = arith.constant 0 : index
    %get3A_52 = arith.constant 0 : index
    %get3A_53 = vector.load %arg5[%get3A_51, %get3A_52] : memref<256x256xf32, #tpu.memory_space<vmem>>, vector<256x256xf32>
    %dot_general3A_54 = arith.constant dense<0.000000e+00> : vector<256x256xf32>
    %dot_general3A_55 = tpu.matmul %slice3A_50, %get3A_53, %dot_general3A_54 {dimension_numbers = #tpu.dot_dimension_numbers<[1], [0], [0], [1], [0, 0, 1, 1], [], []>, transpose_lhs_hint = false} : vector<256x256xf32>, vector<256x256xf32>, vector<256x256xf32> -> vector<256x256xf32>
    %get3A_56 = arith.constant 0 : index
    %get3A_57 = arith.constant 0 : index
    %get3A_58 = vector.load %arg6[%get3A_56, %get3A_57] : memref<1x256xf32, #tpu.memory_space<vmem>>, vector<1x256xf32>
    %add3A_59 = vector.broadcast %get3A_58 : vector<1x256xf32> to vector<256x256xf32>
    %add3A_60 = arith.addf %dot_general3A_55, %add3A_59 : vector<256x256xf32>
    %convert_element_type3A_61 = arith.truncf %add3A_60 : vector<256x256xf32> to vector<256x256xbf16>
    %slice3A_62 = vector.extract_strided_slice %max3A_23 {offsets = [0, 768], sizes = [256, 256], strides = [1, 1]} : vector<256x1024xf32> to vector<256x256xf32>
    %get3A_63 = arith.constant 0 : index
    %get3A_64 = arith.constant 0 : index
    %get3A_65 = vector.load %arg5[%get3A_63, %get3A_64] : memref<256x256xf32, #tpu.memory_space<vmem>>, vector<256x256xf32>
    %dot_general3A_66 = arith.constant dense<0.000000e+00> : vector<256x256xf32>
    %dot_general3A_67 = tpu.matmul %slice3A_62, %get3A_65, %dot_general3A_66 {dimension_numbers = #tpu.dot_dimension_numbers<[1], [0], [0], [1], [0, 0, 1, 1], [], []>, transpose_lhs_hint = false} : vector<256x256xf32>, vector<256x256xf32>, vector<256x256xf32> -> vector<256x256xf32>
    %get3A_68 = arith.constant 0 : index
    %get3A_69 = arith.constant 0 : index
    %get3A_70 = vector.load %arg6[%get3A_68, %get3A_69] : memref<1x256xf32, #tpu.memory_space<vmem>>, vector<1x256xf32>
    %add3A_71 = vector.broadcast %get3A_70 : vector<1x256xf32> to vector<256x256xf32>
    %add3A_72 = arith.addf %dot_general3A_67, %add3A_71 : vector<256x256xf32>
    %convert_element_type3A_73 = arith.truncf %add3A_72 : vector<256x256xf32> to vector<256x256xbf16>
    %concatenate3A = tpu.concatenate %convert_element_type3A_37, %convert_element_type3A_49, %convert_element_type3A_61, %convert_element_type3A_73 in 1 : vector<256x256xbf16>, vector<256x256xbf16>, vector<256x256xbf16>, vector<256x256xbf16> -> vector<256x1024xbf16>
    %swap3A_74 = arith.constant 0 : index
    %swap3A_75 = arith.constant 0 : index
    %swap3A_76 = vector.load %arg9[%swap3A_74, %swap3A_75] : memref<256x1024xbf16, #tpu.memory_space<vmem>>, vector<256x1024xbf16>
    tpu.vector_store %arg9[%swap3A_74, %swap3A_75], %concatenate3A {strides = array<i32>} : memref<256x1024xbf16, #tpu.memory_space<vmem>>, vector<256x1024xbf16>,
    %slice3A_77 = vector.extract_strided_slice %max3A_23 {offsets = [0, 0], sizes = [256, 256], strides = [1, 1]} : vector<256x1024xf32> to vector<256x256xf32>
    %get3A_78 = arith.constant 0 : index
    %get3A_79 = arith.constant 0 : index
    %get3A_80 = vector.load %arg7[%get3A_78, %get3A_79] : memref<256x256xf32, #tpu.memory_space<vmem>>, vector<256x256xf32>
    %dot_general3A_81 = arith.constant dense<0.000000e+00> : vector<256x256xf32>
    %dot_general3A_82 = tpu.matmul %slice3A_77, %get3A_80, %dot_general3A_81 {dimension_numbers = #tpu.dot_dimension_numbers<[1], [0], [0], [1], [0, 0, 1, 1], [], []>, transpose_lhs_hint = false} : vector<256x256xf32>, vector<256x256xf32>, vector<256x256xf32> -> vector<256x256xf32>
    %convert_element_type3A_83 = arith.truncf %dot_general3A_82 : vector<256x256xf32> to vector<256x256xbf16>
    %slice3A_84 = vector.extract_strided_slice %max3A_23 {offsets = [0, 256], sizes = [256, 256], strides = [1, 1]} : vector<256x1024xf32> to vector<256x256xf32>
    %get3A_85 = arith.constant 0 : index
    %get3A_86 = arith.constant 0 : index
    %get3A_87 = vector.load %arg7[%get3A_85, %get3A_86] : memref<256x256xf32, #tpu.memory_space<vmem>>, vector<256x256xf32>
    %dot_general3A_88 = arith.constant dense<0.000000e+00> : vector<256x256xf32>
    %dot_general3A_89 = tpu.matmul %slice3A_84, %get3A_87, %dot_general3A_88 {dimension_numbers = #tpu.dot_dimension_numbers<[1], [0], [0], [1], [0, 0, 1, 1], [], []>, transpose_lhs_hint = false} : vector<256x256xf32>, vector<256x256xf32>, vector<256x256xf32> -> vector<256x256xf32>
    %convert_element_type3A_90 = arith.truncf %dot_general3A_89 : vector<256x256xf32> to vector<256x256xbf16>
    %slice3A_91 = vector.extract_strided_slice %max3A_23 {offsets = [0, 512], sizes = [256, 256], strides = [1, 1]} : vector<256x1024xf32> to vector<256x256xf32>
    %get3A_92 = arith.constant 0 : index
    %get3A_93 = arith.constant 0 : index
    %get3A_94 = vector.load %arg7[%get3A_92, %get3A_93] : memref<256x256xf32, #tpu.memory_space<vmem>>, vector<256x256xf32>
    %dot_general3A_95 = arith.constant dense<0.000000e+00> : vector<256x256xf32>
    %dot_general3A_96 = tpu.matmul %slice3A_91, %get3A_94, %dot_general3A_95 {dimension_numbers = #tpu.dot_dimension_numbers<[1], [0], [0], [1], [0, 0, 1, 1], [], []>, transpose_lhs_hint = false} : vector<256x256xf32>, vector<256x256xf32>, vector<256x256xf32> -> vector<256x256xf32>
    %convert_element_type3A_97 = arith.truncf %dot_general3A_96 : vector<256x256xf32> to vector<256x256xbf16>
    %slice3A_98 = vector.extract_strided_slice %max3A_23 {offsets = [0, 768], sizes = [256, 256], strides = [1, 1]} : vector<256x1024xf32> to vector<256x256xf32>
    %get3A_99 = arith.constant 0 : index
    %get3A_100 = arith.constant 0 : index
    %get3A_101 = vector.load %arg7[%get3A_99, %get3A_100] : memref<256x256xf32, #tpu.memory_space<vmem>>, vector<256x256xf32>
    %dot_general3A_102 = arith.constant dense<0.000000e+00> : vector<256x256xf32>
    %dot_general3A_103 = tpu.matmul %slice3A_98, %get3A_101, %dot_general3A_102 {dimension_numbers = #tpu.dot_dimension_numbers<[1], [0], [0], [1], [0, 0, 1, 1], [], []>, transpose_lhs_hint = false} : vector<256x256xf32>, vector<256x256xf32>, vector<256x256xf32> -> vector<256x256xf32>
    %convert_element_type3A_104 = arith.truncf %dot_general3A_103 : vector<256x256xf32> to vector<256x256xbf16>
    %concatenate3A_105 = tpu.concatenate %convert_element_type3A_83, %convert_element_type3A_90, %convert_element_type3A_97, %convert_element_type3A_104 in 1 : vector<256x256xbf16>, vector<256x256xbf16>, vector<256x256xbf16>, vector<256x256xbf16> -> vector<256x1024xbf16>
    %swap3A_106 = arith.constant 0 : index
    %swap3A_107 = arith.constant 0 : index
    %swap3A_108 = vector.load %arg10[%swap3A_106, %swap3A_107] : memref<256x1024xbf16, #tpu.memory_space<vmem>>, vector<256x1024xbf16>
    tpu.vector_store %arg10[%swap3A_106, %swap3A_107], %concatenate3A_105 {strides = array<i32>} : memref<256x1024xbf16, #tpu.memory_space<vmem>>, vector<256x1024xbf16>,
    return
  }
  func.func @transform_0(%arg0: i32) -> (i32, i32) {
    %c0_i32 = arith.constant 0 : i32
    %c0_i32_0 = arith.constant 0 : i32
    return %arg0, %c0_i32 : i32, i32
  }
  func.func @transform_1(%arg0: i32) -> (i32, i32) {
    %c0_i32 = arith.constant 0 : i32
    %c0_i32_0 = arith.constant 0 : i32
    %c0_i32_1 = arith.constant 0 : i32
    return %c0_i32, %c0_i32_0 : i32, i32
  }
  func.func @transform_2(%arg0: i32) -> (i32, i32) {
    %c0_i32 = arith.constant 0 : i32
    %c0_i32_0 = arith.constant 0 : i32
    return %arg0, %c0_i32 : i32, i32
  }
  func.func @transform_3(%arg0: i32) -> (i32, i32) {
    %c0_i32 = arith.constant 0 : i32
    %c0_i32_0 = arith.constant 0 : i32
    return %arg0, %c0_i32 : i32, i32
  }
  func.func @transform_4(%arg0: i32) -> (i32, i32) {
    %c0_i32 = arith.constant 0 : i32
    %c0_i32_0 = arith.constant 0 : i32
    %c0_i32_1 = arith.constant 0 : i32
    return %c0_i32, %c0_i32_0 : i32, i32
  }
  func.func @transform_5(%arg0: i32) -> (i32, i32) {
    %c0_i32 = arith.constant 0 : i32
    %c0_i32_0 = arith.constant 0 : i32
    %c0_i32_1 = arith.constant 0 : i32
    return %c0_i32, %c0_i32_0 : i32, i32
  }
  func.func @transform_6(%arg0: i32) -> (i32, i32) {
    %c0_i32 = arith.constant 0 : i32
    %c0_i32_0 = arith.constant 0 : i32
    %c0_i32_1 = arith.constant 0 : i32
    return %c0_i32, %c0_i32_0 : i32, i32
  }
  func.func @transform_7(%arg0: i32) -> (i32, i32) {
    %c0_i32 = arith.constant 0 : i32
    %c0_i32_0 = arith.constant 0 : i32
    return %arg0, %c0_i32 : i32, i32
  }
  func.func @transform_8(%arg0: i32) -> (i32, i32) {
    %c0_i32 = arith.constant 0 : i32
    %c0_i32_0 = arith.constant 0 : i32
    return %arg0, %c0_i32 : i32, i32
  }
  func.func @transform_9(%arg0: i32) -> (i32, i32) {
    %c0_i32 = arith.constant 0 : i32
    %c0_i32_0 = arith.constant 0 : i32
    return %arg0, %c0_i32 : i32, i32
  }
}

module attributes {stable_mosaic.version = 14 : i64} {
  func.func @body(%arg0: i32, %arg1: memref<256x2048xbf16, #tpu.memory_space<vmem>>, %arg2: memref<2048x1024xbf16, #tpu.memory_space<vmem>>, %arg3: memref<256x1024xbf16, #tpu.memory_space<vmem>>, %arg4: memref<256x1024xbf16, #tpu.memory_space<vmem>>, %arg5: memref<256x64xf32, #tpu.memory_space<vmem>>, %arg6: memref<1x64xf32, #tpu.memory_space<vmem>>, %arg7: memref<256x64xf32, #tpu.memory_space<vmem>>, %arg8: memref<256x256xbf16, #tpu.memory_space<vmem>>, %arg9: memref<256x256xbf16, #tpu.memory_space<vmem>>) attributes {dimension_semantics = [#tpu.dimension_semantics<arbitrary>], iteration_bounds = array<i64: 8>, scalar_prefetch = 0 : i64, scratch_operands = 0 : i64, tpu.core_type = #tpu.core_type<tc>, window_params = [{transform_indices = @transform_0, window_bounds = array<i64: 256, 2048>}, {pipeline_mode = #tpu.pipeline_mode<synchronous>, transform_indices = @transform_1, window_bounds = array<i64: 2048, 1024>}, {transform_indices = @transform_2, window_bounds = array<i64: 256, 1024>}, {transform_indices = @transform_3, window_bounds = array<i64: 256, 1024>}, {pipeline_mode = #tpu.pipeline_mode<synchronous>, transform_indices = @transform_4, window_bounds = array<i64: 256, 64>}, {pipeline_mode = #tpu.pipeline_mode<synchronous>, transform_indices = @transform_5, window_bounds = array<i64: 1, 64>}, {pipeline_mode = #tpu.pipeline_mode<synchronous>, transform_indices = @transform_6, window_bounds = array<i64: 256, 64>}, {transform_indices = @transform_7, window_bounds = array<i64: 256, 256>}, {transform_indices = @transform_8, window_bounds = array<i64: 256, 256>}]} {
    %get3A = arith.constant 0 : index
    %get3A_0 = arith.constant 0 : index
    %get3A_1 = vector.load %arg1[%get3A, %get3A_0] : memref<256x2048xbf16, #tpu.memory_space<vmem>>, vector<256x2048xbf16>
    %get3A_2 = arith.constant 0 : index
    %get3A_3 = arith.constant 0 : index
    %get3A_4 = vector.load %arg2[%get3A_2, %get3A_3] : memref<2048x1024xbf16, #tpu.memory_space<vmem>>, vector<2048x1024xbf16>
    %dot_general3A = arith.constant dense<0.000000e+00> : vector<256x1024xf32>
    %dot_general3A_5 = tpu.matmul %get3A_1, %get3A_4, %dot_general3A {dimension_numbers = #tpu.dot_dimension_numbers<[1], [0], [0], [1], [0, 0, 1, 1], [], []>, transpose_lhs_hint = false} : vector<256x2048xbf16>, vector<2048x1024xbf16>, vector<256x1024xf32> -> vector<256x1024xf32>
    %convert_element_type3A = arith.extf %get3A_1 : vector<256x2048xbf16> to vector<256x2048xf32>
    %reduce_sum3A = arith.constant dense<0.000000e+00> : vector<256xf32>
    %reduce_sum3A_6 = vector.multi_reduction <add>, %convert_element_type3A, %reduce_sum3A [1] : vector<256x2048xf32> to vector<256xf32>
    %broadcast_in_dim3A = vector.shape_cast %reduce_sum3A_6 : vector<256xf32> to vector<256x1xf32>
    %max3A = arith.constant 1.000000e+00 : f32
    %max3A_7 = vector.broadcast %max3A : f32 to vector<256x1xf32>
    %max3A_8 = arith.maximumf %broadcast_in_dim3A, %max3A_7 : vector<256x1xf32>
    %div3A = arith.constant 1.000000e+00 : f32
    %div3A_9 = vector.broadcast %div3A : f32 to vector<256x1xf32>
    %div3A_10 = arith.divf %div3A_9, %max3A_8 : vector<256x1xf32>
    %get3A_11 = arith.constant 0 : index
    %get3A_12 = arith.constant 0 : index
    %get3A_13 = vector.load %arg3[%get3A_11, %get3A_12] : memref<256x1024xbf16, #tpu.memory_space<vmem>>, vector<256x1024xbf16>
    %convert_element_type3A_14 = arith.extf %get3A_13 : vector<256x1024xbf16> to vector<256x1024xf32>
    %mul3A = vector.broadcast %div3A_10 : vector<256x1xf32> to vector<256x1024xf32>
    %mul3A_15 = arith.mulf %dot_general3A_5, %mul3A : vector<256x1024xf32>
    %add3A = arith.addf %convert_element_type3A_14, %mul3A_15 : vector<256x1024xf32>
    %get3A_16 = arith.constant 0 : index
    %get3A_17 = arith.constant 0 : index
    %get3A_18 = vector.load %arg4[%get3A_16, %get3A_17] : memref<256x1024xbf16, #tpu.memory_space<vmem>>, vector<256x1024xbf16>
    %convert_element_type3A_19 = arith.extf %get3A_18 : vector<256x1024xbf16> to vector<256x1024xf32>
    %add3A_20 = arith.addf %convert_element_type3A_19, %add3A : vector<256x1024xf32>
    %max3A_21 = arith.constant 0.000000e+00 : f32
    %max3A_22 = vector.broadcast %max3A_21 : f32 to vector<256x1024xf32>
    %max3A_23 = arith.maximumf %add3A_20, %max3A_22 : vector<256x1024xf32>
    %slice3A = vector.extract_strided_slice %max3A_23 {offsets = [0, 0], sizes = [256, 256], strides = [1, 1]} : vector<256x1024xf32> to vector<256x256xf32>
    %get3A_24 = arith.constant 0 : index
    %get3A_25 = arith.constant 0 : index
    %get3A_26 = vector.load %arg5[%get3A_24, %get3A_25] : memref<256x64xf32, #tpu.memory_space<vmem>>, vector<256x64xf32>
    %dot_general3A_27 = arith.constant dense<0.000000e+00> : vector<256x64xf32>
    %dot_general3A_28 = tpu.matmul %slice3A, %get3A_26, %dot_general3A_27 {dimension_numbers = #tpu.dot_dimension_numbers<[1], [0], [0], [1], [0, 0, 1, 1], [], []>, transpose_lhs_hint = false} : vector<256x256xf32>, vector<256x64xf32>, vector<256x64xf32> -> vector<256x64xf32>
    %get3A_29 = arith.constant 0 : index
    %get3A_30 = arith.constant 0 : index
    %get3A_31 = vector.load %arg6[%get3A_29, %get3A_30] : memref<1x64xf32, #tpu.memory_space<vmem>>, vector<1x64xf32>
    %add3A_32 = vector.broadcast %get3A_31 : vector<1x64xf32> to vector<256x64xf32>
    %add3A_33 = arith.addf %dot_general3A_28, %add3A_32 : vector<256x64xf32>
    %convert_element_type3A_34 = arith.truncf %add3A_33 : vector<256x64xf32> to vector<256x64xbf16>
    %slice3A_35 = vector.extract_strided_slice %max3A_23 {offsets = [0, 256], sizes = [256, 256], strides = [1, 1]} : vector<256x1024xf32> to vector<256x256xf32>
    %get3A_36 = arith.constant 0 : index
    %get3A_37 = arith.constant 0 : index
    %get3A_38 = vector.load %arg5[%get3A_36, %get3A_37] : memref<256x64xf32, #tpu.memory_space<vmem>>, vector<256x64xf32>
    %dot_general3A_39 = arith.constant dense<0.000000e+00> : vector<256x64xf32>
    %dot_general3A_40 = tpu.matmul %slice3A_35, %get3A_38, %dot_general3A_39 {dimension_numbers = #tpu.dot_dimension_numbers<[1], [0], [0], [1], [0, 0, 1, 1], [], []>, transpose_lhs_hint = false} : vector<256x256xf32>, vector<256x64xf32>, vector<256x64xf32> -> vector<256x64xf32>
    %get3A_41 = arith.constant 0 : index
    %get3A_42 = arith.constant 0 : index
    %get3A_43 = vector.load %arg6[%get3A_41, %get3A_42] : memref<1x64xf32, #tpu.memory_space<vmem>>, vector<1x64xf32>
    %add3A_44 = vector.broadcast %get3A_43 : vector<1x64xf32> to vector<256x64xf32>
    %add3A_45 = arith.addf %dot_general3A_40, %add3A_44 : vector<256x64xf32>
    %convert_element_type3A_46 = arith.truncf %add3A_45 : vector<256x64xf32> to vector<256x64xbf16>
    %slice3A_47 = vector.extract_strided_slice %max3A_23 {offsets = [0, 512], sizes = [256, 256], strides = [1, 1]} : vector<256x1024xf32> to vector<256x256xf32>
    %get3A_48 = arith.constant 0 : index
    %get3A_49 = arith.constant 0 : index
    %get3A_50 = vector.load %arg5[%get3A_48, %get3A_49] : memref<256x64xf32, #tpu.memory_space<vmem>>, vector<256x64xf32>
    %dot_general3A_51 = arith.constant dense<0.000000e+00> : vector<256x64xf32>
    %dot_general3A_52 = tpu.matmul %slice3A_47, %get3A_50, %dot_general3A_51 {dimension_numbers = #tpu.dot_dimension_numbers<[1], [0], [0], [1], [0, 0, 1, 1], [], []>, transpose_lhs_hint = false} : vector<256x256xf32>, vector<256x64xf32>, vector<256x64xf32> -> vector<256x64xf32>
    %get3A_53 = arith.constant 0 : index
    %get3A_54 = arith.constant 0 : index
    %get3A_55 = vector.load %arg6[%get3A_53, %get3A_54] : memref<1x64xf32, #tpu.memory_space<vmem>>, vector<1x64xf32>
    %add3A_56 = vector.broadcast %get3A_55 : vector<1x64xf32> to vector<256x64xf32>
    %add3A_57 = arith.addf %dot_general3A_52, %add3A_56 : vector<256x64xf32>
    %convert_element_type3A_58 = arith.truncf %add3A_57 : vector<256x64xf32> to vector<256x64xbf16>
    %slice3A_59 = vector.extract_strided_slice %max3A_23 {offsets = [0, 768], sizes = [256, 256], strides = [1, 1]} : vector<256x1024xf32> to vector<256x256xf32>
    %get3A_60 = arith.constant 0 : index
    %get3A_61 = arith.constant 0 : index
    %get3A_62 = vector.load %arg5[%get3A_60, %get3A_61] : memref<256x64xf32, #tpu.memory_space<vmem>>, vector<256x64xf32>
    %dot_general3A_63 = arith.constant dense<0.000000e+00> : vector<256x64xf32>
    %dot_general3A_64 = tpu.matmul %slice3A_59, %get3A_62, %dot_general3A_63 {dimension_numbers = #tpu.dot_dimension_numbers<[1], [0], [0], [1], [0, 0, 1, 1], [], []>, transpose_lhs_hint = false} : vector<256x256xf32>, vector<256x64xf32>, vector<256x64xf32> -> vector<256x64xf32>
    %get3A_65 = arith.constant 0 : index
    %get3A_66 = arith.constant 0 : index
    %get3A_67 = vector.load %arg6[%get3A_65, %get3A_66] : memref<1x64xf32, #tpu.memory_space<vmem>>, vector<1x64xf32>
    %add3A_68 = vector.broadcast %get3A_67 : vector<1x64xf32> to vector<256x64xf32>
    %add3A_69 = arith.addf %dot_general3A_64, %add3A_68 : vector<256x64xf32>
    %convert_element_type3A_70 = arith.truncf %add3A_69 : vector<256x64xf32> to vector<256x64xbf16>
    %concatenate3A = tpu.concatenate %convert_element_type3A_34, %convert_element_type3A_46, %convert_element_type3A_58, %convert_element_type3A_70 in 1 : vector<256x64xbf16>, vector<256x64xbf16>, vector<256x64xbf16>, vector<256x64xbf16> -> vector<256x256xbf16>
    %swap3A = arith.constant 0 : index
    %swap3A_71 = arith.constant 0 : index
    %swap3A_72 = vector.load %arg8[%swap3A, %swap3A_71] : memref<256x256xbf16, #tpu.memory_space<vmem>>, vector<256x256xbf16>
    tpu.vector_store %arg8[%swap3A, %swap3A_71], %concatenate3A {strides = array<i32>} : memref<256x256xbf16, #tpu.memory_space<vmem>>, vector<256x256xbf16>,
    %slice3A_73 = vector.extract_strided_slice %max3A_23 {offsets = [0, 0], sizes = [256, 256], strides = [1, 1]} : vector<256x1024xf32> to vector<256x256xf32>
    %get3A_74 = arith.constant 0 : index
    %get3A_75 = arith.constant 0 : index
    %get3A_76 = vector.load %arg7[%get3A_74, %get3A_75] : memref<256x64xf32, #tpu.memory_space<vmem>>, vector<256x64xf32>
    %dot_general3A_77 = arith.constant dense<0.000000e+00> : vector<256x64xf32>
    %dot_general3A_78 = tpu.matmul %slice3A_73, %get3A_76, %dot_general3A_77 {dimension_numbers = #tpu.dot_dimension_numbers<[1], [0], [0], [1], [0, 0, 1, 1], [], []>, transpose_lhs_hint = false} : vector<256x256xf32>, vector<256x64xf32>, vector<256x64xf32> -> vector<256x64xf32>
    %convert_element_type3A_79 = arith.truncf %dot_general3A_78 : vector<256x64xf32> to vector<256x64xbf16>
    %slice3A_80 = vector.extract_strided_slice %max3A_23 {offsets = [0, 256], sizes = [256, 256], strides = [1, 1]} : vector<256x1024xf32> to vector<256x256xf32>
    %get3A_81 = arith.constant 0 : index
    %get3A_82 = arith.constant 0 : index
    %get3A_83 = vector.load %arg7[%get3A_81, %get3A_82] : memref<256x64xf32, #tpu.memory_space<vmem>>, vector<256x64xf32>
    %dot_general3A_84 = arith.constant dense<0.000000e+00> : vector<256x64xf32>
    %dot_general3A_85 = tpu.matmul %slice3A_80, %get3A_83, %dot_general3A_84 {dimension_numbers = #tpu.dot_dimension_numbers<[1], [0], [0], [1], [0, 0, 1, 1], [], []>, transpose_lhs_hint = false} : vector<256x256xf32>, vector<256x64xf32>, vector<256x64xf32> -> vector<256x64xf32>
    %convert_element_type3A_86 = arith.truncf %dot_general3A_85 : vector<256x64xf32> to vector<256x64xbf16>
    %slice3A_87 = vector.extract_strided_slice %max3A_23 {offsets = [0, 512], sizes = [256, 256], strides = [1, 1]} : vector<256x1024xf32> to vector<256x256xf32>
    %get3A_88 = arith.constant 0 : index
    %get3A_89 = arith.constant 0 : index
    %get3A_90 = vector.load %arg7[%get3A_88, %get3A_89] : memref<256x64xf32, #tpu.memory_space<vmem>>, vector<256x64xf32>
    %dot_general3A_91 = arith.constant dense<0.000000e+00> : vector<256x64xf32>
    %dot_general3A_92 = tpu.matmul %slice3A_87, %get3A_90, %dot_general3A_91 {dimension_numbers = #tpu.dot_dimension_numbers<[1], [0], [0], [1], [0, 0, 1, 1], [], []>, transpose_lhs_hint = false} : vector<256x256xf32>, vector<256x64xf32>, vector<256x64xf32> -> vector<256x64xf32>
    %convert_element_type3A_93 = arith.truncf %dot_general3A_92 : vector<256x64xf32> to vector<256x64xbf16>
    %slice3A_94 = vector.extract_strided_slice %max3A_23 {offsets = [0, 768], sizes = [256, 256], strides = [1, 1]} : vector<256x1024xf32> to vector<256x256xf32>
    %get3A_95 = arith.constant 0 : index
    %get3A_96 = arith.constant 0 : index
    %get3A_97 = vector.load %arg7[%get3A_95, %get3A_96] : memref<256x64xf32, #tpu.memory_space<vmem>>, vector<256x64xf32>
    %dot_general3A_98 = arith.constant dense<0.000000e+00> : vector<256x64xf32>
    %dot_general3A_99 = tpu.matmul %slice3A_94, %get3A_97, %dot_general3A_98 {dimension_numbers = #tpu.dot_dimension_numbers<[1], [0], [0], [1], [0, 0, 1, 1], [], []>, transpose_lhs_hint = false} : vector<256x256xf32>, vector<256x64xf32>, vector<256x64xf32> -> vector<256x64xf32>
    %convert_element_type3A_100 = arith.truncf %dot_general3A_99 : vector<256x64xf32> to vector<256x64xbf16>
    %concatenate3A_101 = tpu.concatenate %convert_element_type3A_79, %convert_element_type3A_86, %convert_element_type3A_93, %convert_element_type3A_100 in 1 : vector<256x64xbf16>, vector<256x64xbf16>, vector<256x64xbf16>, vector<256x64xbf16> -> vector<256x256xbf16>
    %swap3A_102 = arith.constant 0 : index
    %swap3A_103 = arith.constant 0 : index
    %swap3A_104 = vector.load %arg9[%swap3A_102, %swap3A_103] : memref<256x256xbf16, #tpu.memory_space<vmem>>, vector<256x256xbf16>
    tpu.vector_store %arg9[%swap3A_102, %swap3A_103], %concatenate3A_101 {strides = array<i32>} : memref<256x256xbf16, #tpu.memory_space<vmem>>, vector<256x256xbf16>,
    return
  }
  func.func @transform_0(%arg0: i32) -> (i32, i32) {
    %c0_i32 = arith.constant 0 : i32
    %c0_i32_0 = arith.constant 0 : i32
    return %arg0, %c0_i32 : i32, i32
  }
  func.func @transform_1(%arg0: i32) -> (i32, i32) {
    %c0_i32 = arith.constant 0 : i32
    %c0_i32_0 = arith.constant 0 : i32
    %c0_i32_1 = arith.constant 0 : i32
    return %c0_i32, %c0_i32_0 : i32, i32
  }
  func.func @transform_2(%arg0: i32) -> (i32, i32) {
    %c0_i32 = arith.constant 0 : i32
    %c0_i32_0 = arith.constant 0 : i32
    return %arg0, %c0_i32 : i32, i32
  }
  func.func @transform_3(%arg0: i32) -> (i32, i32) {
    %c0_i32 = arith.constant 0 : i32
    %c0_i32_0 = arith.constant 0 : i32
    return %arg0, %c0_i32 : i32, i32
  }
  func.func @transform_4(%arg0: i32) -> (i32, i32) {
    %c0_i32 = arith.constant 0 : i32
    %c0_i32_0 = arith.constant 0 : i32
    %c0_i32_1 = arith.constant 0 : i32
    return %c0_i32, %c0_i32_0 : i32, i32
  }
  func.func @transform_5(%arg0: i32) -> (i32, i32) {
    %c0_i32 = arith.constant 0 : i32
    %c0_i32_0 = arith.constant 0 : i32
    %c0_i32_1 = arith.constant 0 : i32
    return %c0_i32, %c0_i32_0 : i32, i32
  }
  func.func @transform_6(%arg0: i32) -> (i32, i32) {
    %c0_i32 = arith.constant 0 : i32
    %c0_i32_0 = arith.constant 0 : i32
    %c0_i32_1 = arith.constant 0 : i32
    return %c0_i32, %c0_i32_0 : i32, i32
  }
  func.func @transform_7(%arg0: i32) -> (i32, i32) {
    %c0_i32 = arith.constant 0 : i32
    %c0_i32_0 = arith.constant 0 : i32
    return %arg0, %c0_i32 : i32, i32
  }
  func.func @transform_8(%arg0: i32) -> (i32, i32) {
    %c0_i32 = arith.constant 0 : i32
    %c0_i32_0 = arith.constant 0 : i32
    return %arg0, %c0_i32 : i32, i32
  }
}

module attributes {stable_mosaic.version = 14 : i64} {
  func.func @body(%arg0: i32, %arg1: memref<256x2048xbf16, #tpu.memory_space<vmem>>, %arg2: memref<2048x256xbf16, #tpu.memory_space<vmem>>, %arg3: memref<256x256xbf16, #tpu.memory_space<vmem>>, %arg4: memref<64x16xf32, #tpu.memory_space<vmem>>, %arg5: memref<1x16xf32, #tpu.memory_space<vmem>>, %arg6: memref<64x16xf32, #tpu.memory_space<vmem>>, %arg7: memref<256x64xbf16, #tpu.memory_space<vmem>>, %arg8: memref<256x64xbf16, #tpu.memory_space<vmem>>) attributes {dimension_semantics = [#tpu.dimension_semantics<arbitrary>], iteration_bounds = array<i64: 8>, scalar_prefetch = 0 : i64, scratch_operands = 0 : i64, tpu.core_type = #tpu.core_type<tc>, window_params = [{transform_indices = @transform_0, window_bounds = array<i64: 256, 2048>}, {pipeline_mode = #tpu.pipeline_mode<synchronous>, transform_indices = @transform_1, window_bounds = array<i64: 2048, 256>}, {transform_indices = @transform_2, window_bounds = array<i64: 256, 256>}, {pipeline_mode = #tpu.pipeline_mode<synchronous>, transform_indices = @transform_3, window_bounds = array<i64: 64, 16>}, {pipeline_mode = #tpu.pipeline_mode<synchronous>, transform_indices = @transform_4, window_bounds = array<i64: 1, 16>}, {pipeline_mode = #tpu.pipeline_mode<synchronous>, transform_indices = @transform_5, window_bounds = array<i64: 64, 16>}, {transform_indices = @transform_6, window_bounds = array<i64: 256, 64>}, {transform_indices = @transform_7, window_bounds = array<i64: 256, 64>}]} {
    %get3A = arith.constant 0 : index
    %get3A_0 = arith.constant 0 : index
    %get3A_1 = vector.load %arg1[%get3A, %get3A_0] : memref<256x2048xbf16, #tpu.memory_space<vmem>>, vector<256x2048xbf16>
    %get3A_2 = arith.constant 0 : index
    %get3A_3 = arith.constant 0 : index
    %get3A_4 = vector.load %arg2[%get3A_2, %get3A_3] : memref<2048x256xbf16, #tpu.memory_space<vmem>>, vector<2048x256xbf16>
    %dot_general3A = arith.constant dense<0.000000e+00> : vector<256x256xf32>
    %dot_general3A_5 = tpu.matmul %get3A_1, %get3A_4, %dot_general3A {dimension_numbers = #tpu.dot_dimension_numbers<[1], [0], [0], [1], [0, 0, 1, 1], [], []>, transpose_lhs_hint = false} : vector<256x2048xbf16>, vector<2048x256xbf16>, vector<256x256xf32> -> vector<256x256xf32>
    %convert_element_type3A = arith.extf %get3A_1 : vector<256x2048xbf16> to vector<256x2048xf32>
    %reduce_sum3A = arith.constant dense<0.000000e+00> : vector<256xf32>
    %reduce_sum3A_6 = vector.multi_reduction <add>, %convert_element_type3A, %reduce_sum3A [1] : vector<256x2048xf32> to vector<256xf32>
    %broadcast_in_dim3A = vector.shape_cast %reduce_sum3A_6 : vector<256xf32> to vector<256x1xf32>
    %max3A = arith.constant 1.000000e+00 : f32
    %max3A_7 = vector.broadcast %max3A : f32 to vector<256x1xf32>
    %max3A_8 = arith.maximumf %broadcast_in_dim3A, %max3A_7 : vector<256x1xf32>
    %div3A = arith.constant 1.000000e+00 : f32
    %div3A_9 = vector.broadcast %div3A : f32 to vector<256x1xf32>
    %div3A_10 = arith.divf %div3A_9, %max3A_8 : vector<256x1xf32>
    %get3A_11 = arith.constant 0 : index
    %get3A_12 = arith.constant 0 : index
    %get3A_13 = vector.load %arg3[%get3A_11, %get3A_12] : memref<256x256xbf16, #tpu.memory_space<vmem>>, vector<256x256xbf16>
    %convert_element_type3A_14 = arith.extf %get3A_13 : vector<256x256xbf16> to vector<256x256xf32>
    %mul3A = vector.broadcast %div3A_10 : vector<256x1xf32> to vector<256x256xf32>
    %mul3A_15 = arith.mulf %dot_general3A_5, %mul3A : vector<256x256xf32>
    %add3A = arith.addf %convert_element_type3A_14, %mul3A_15 : vector<256x256xf32>
    %max3A_16 = arith.constant 0.000000e+00 : f32
    %max3A_17 = vector.broadcast %max3A_16 : f32 to vector<256x256xf32>
    %max3A_18 = arith.maximumf %add3A, %max3A_17 : vector<256x256xf32>
    %slice3A = vector.extract_strided_slice %max3A_18 {offsets = [0, 0], sizes = [256, 64], strides = [1, 1]} : vector<256x256xf32> to vector<256x64xf32>
    %get3A_19 = arith.constant 0 : index
    %get3A_20 = arith.constant 0 : index
    %get3A_21 = vector.load %arg4[%get3A_19, %get3A_20] : memref<64x16xf32, #tpu.memory_space<vmem>>, vector<64x16xf32>
    %dot_general3A_22 = arith.constant dense<0.000000e+00> : vector<256x16xf32>
    %dot_general3A_23 = tpu.matmul %slice3A, %get3A_21, %dot_general3A_22 {dimension_numbers = #tpu.dot_dimension_numbers<[1], [0], [0], [1], [0, 0, 1, 1], [], []>, transpose_lhs_hint = false} : vector<256x64xf32>, vector<64x16xf32>, vector<256x16xf32> -> vector<256x16xf32>
    %get3A_24 = arith.constant 0 : index
    %get3A_25 = arith.constant 0 : index
    %get3A_26 = vector.load %arg5[%get3A_24, %get3A_25] : memref<1x16xf32, #tpu.memory_space<vmem>>, vector<1x16xf32>
    %add3A_27 = vector.broadcast %get3A_26 : vector<1x16xf32> to vector<256x16xf32>
    %add3A_28 = arith.addf %dot_general3A_23, %add3A_27 : vector<256x16xf32>
    %convert_element_type3A_29 = arith.truncf %add3A_28 : vector<256x16xf32> to vector<256x16xbf16>
    %slice3A_30 = vector.extract_strided_slice %max3A_18 {offsets = [0, 64], sizes = [256, 64], strides = [1, 1]} : vector<256x256xf32> to vector<256x64xf32>
    %get3A_31 = arith.constant 0 : index
    %get3A_32 = arith.constant 0 : index
    %get3A_33 = vector.load %arg4[%get3A_31, %get3A_32] : memref<64x16xf32, #tpu.memory_space<vmem>>, vector<64x16xf32>
    %dot_general3A_34 = arith.constant dense<0.000000e+00> : vector<256x16xf32>
    %dot_general3A_35 = tpu.matmul %slice3A_30, %get3A_33, %dot_general3A_34 {dimension_numbers = #tpu.dot_dimension_numbers<[1], [0], [0], [1], [0, 0, 1, 1], [], []>, transpose_lhs_hint = false} : vector<256x64xf32>, vector<64x16xf32>, vector<256x16xf32> -> vector<256x16xf32>
    %get3A_36 = arith.constant 0 : index
    %get3A_37 = arith.constant 0 : index
    %get3A_38 = vector.load %arg5[%get3A_36, %get3A_37] : memref<1x16xf32, #tpu.memory_space<vmem>>, vector<1x16xf32>
    %add3A_39 = vector.broadcast %get3A_38 : vector<1x16xf32> to vector<256x16xf32>
    %add3A_40 = arith.addf %dot_general3A_35, %add3A_39 : vector<256x16xf32>
    %convert_element_type3A_41 = arith.truncf %add3A_40 : vector<256x16xf32> to vector<256x16xbf16>
    %slice3A_42 = vector.extract_strided_slice %max3A_18 {offsets = [0, 128], sizes = [256, 64], strides = [1, 1]} : vector<256x256xf32> to vector<256x64xf32>
    %get3A_43 = arith.constant 0 : index
    %get3A_44 = arith.constant 0 : index
    %get3A_45 = vector.load %arg4[%get3A_43, %get3A_44] : memref<64x16xf32, #tpu.memory_space<vmem>>, vector<64x16xf32>
    %dot_general3A_46 = arith.constant dense<0.000000e+00> : vector<256x16xf32>
    %dot_general3A_47 = tpu.matmul %slice3A_42, %get3A_45, %dot_general3A_46 {dimension_numbers = #tpu.dot_dimension_numbers<[1], [0], [0], [1], [0, 0, 1, 1], [], []>, transpose_lhs_hint = false} : vector<256x64xf32>, vector<64x16xf32>, vector<256x16xf32> -> vector<256x16xf32>
    %get3A_48 = arith.constant 0 : index
    %get3A_49 = arith.constant 0 : index
    %get3A_50 = vector.load %arg5[%get3A_48, %get3A_49] : memref<1x16xf32, #tpu.memory_space<vmem>>, vector<1x16xf32>
    %add3A_51 = vector.broadcast %get3A_50 : vector<1x16xf32> to vector<256x16xf32>
    %add3A_52 = arith.addf %dot_general3A_47, %add3A_51 : vector<256x16xf32>
    %convert_element_type3A_53 = arith.truncf %add3A_52 : vector<256x16xf32> to vector<256x16xbf16>
    %slice3A_54 = vector.extract_strided_slice %max3A_18 {offsets = [0, 192], sizes = [256, 64], strides = [1, 1]} : vector<256x256xf32> to vector<256x64xf32>
    %get3A_55 = arith.constant 0 : index
    %get3A_56 = arith.constant 0 : index
    %get3A_57 = vector.load %arg4[%get3A_55, %get3A_56] : memref<64x16xf32, #tpu.memory_space<vmem>>, vector<64x16xf32>
    %dot_general3A_58 = arith.constant dense<0.000000e+00> : vector<256x16xf32>
    %dot_general3A_59 = tpu.matmul %slice3A_54, %get3A_57, %dot_general3A_58 {dimension_numbers = #tpu.dot_dimension_numbers<[1], [0], [0], [1], [0, 0, 1, 1], [], []>, transpose_lhs_hint = false} : vector<256x64xf32>, vector<64x16xf32>, vector<256x16xf32> -> vector<256x16xf32>
    %get3A_60 = arith.constant 0 : index
    %get3A_61 = arith.constant 0 : index
    %get3A_62 = vector.load %arg5[%get3A_60, %get3A_61] : memref<1x16xf32, #tpu.memory_space<vmem>>, vector<1x16xf32>
    %add3A_63 = vector.broadcast %get3A_62 : vector<1x16xf32> to vector<256x16xf32>
    %add3A_64 = arith.addf %dot_general3A_59, %add3A_63 : vector<256x16xf32>
    %convert_element_type3A_65 = arith.truncf %add3A_64 : vector<256x16xf32> to vector<256x16xbf16>
    %concatenate3A = tpu.concatenate %convert_element_type3A_29, %convert_element_type3A_41, %convert_element_type3A_53, %convert_element_type3A_65 in 1 : vector<256x16xbf16>, vector<256x16xbf16>, vector<256x16xbf16>, vector<256x16xbf16> -> vector<256x64xbf16>
    %swap3A = arith.constant 0 : index
    %swap3A_66 = arith.constant 0 : index
    %swap3A_67 = vector.load %arg7[%swap3A, %swap3A_66] : memref<256x64xbf16, #tpu.memory_space<vmem>>, vector<256x64xbf16>
    tpu.vector_store %arg7[%swap3A, %swap3A_66], %concatenate3A {strides = array<i32>} : memref<256x64xbf16, #tpu.memory_space<vmem>>, vector<256x64xbf16>,
    %slice3A_68 = vector.extract_strided_slice %max3A_18 {offsets = [0, 0], sizes = [256, 64], strides = [1, 1]} : vector<256x256xf32> to vector<256x64xf32>
    %get3A_69 = arith.constant 0 : index
    %get3A_70 = arith.constant 0 : index
    %get3A_71 = vector.load %arg6[%get3A_69, %get3A_70] : memref<64x16xf32, #tpu.memory_space<vmem>>, vector<64x16xf32>
    %dot_general3A_72 = arith.constant dense<0.000000e+00> : vector<256x16xf32>
    %dot_general3A_73 = tpu.matmul %slice3A_68, %get3A_71, %dot_general3A_72 {dimension_numbers = #tpu.dot_dimension_numbers<[1], [0], [0], [1], [0, 0, 1, 1], [], []>, transpose_lhs_hint = false} : vector<256x64xf32>, vector<64x16xf32>, vector<256x16xf32> -> vector<256x16xf32>
    %convert_element_type3A_74 = arith.truncf %dot_general3A_73 : vector<256x16xf32> to vector<256x16xbf16>
    %slice3A_75 = vector.extract_strided_slice %max3A_18 {offsets = [0, 64], sizes = [256, 64], strides = [1, 1]} : vector<256x256xf32> to vector<256x64xf32>
    %get3A_76 = arith.constant 0 : index
    %get3A_77 = arith.constant 0 : index
    %get3A_78 = vector.load %arg6[%get3A_76, %get3A_77] : memref<64x16xf32, #tpu.memory_space<vmem>>, vector<64x16xf32>
    %dot_general3A_79 = arith.constant dense<0.000000e+00> : vector<256x16xf32>
    %dot_general3A_80 = tpu.matmul %slice3A_75, %get3A_78, %dot_general3A_79 {dimension_numbers = #tpu.dot_dimension_numbers<[1], [0], [0], [1], [0, 0, 1, 1], [], []>, transpose_lhs_hint = false} : vector<256x64xf32>, vector<64x16xf32>, vector<256x16xf32> -> vector<256x16xf32>
    %convert_element_type3A_81 = arith.truncf %dot_general3A_80 : vector<256x16xf32> to vector<256x16xbf16>
    %slice3A_82 = vector.extract_strided_slice %max3A_18 {offsets = [0, 128], sizes = [256, 64], strides = [1, 1]} : vector<256x256xf32> to vector<256x64xf32>
    %get3A_83 = arith.constant 0 : index
    %get3A_84 = arith.constant 0 : index
    %get3A_85 = vector.load %arg6[%get3A_83, %get3A_84] : memref<64x16xf32, #tpu.memory_space<vmem>>, vector<64x16xf32>
    %dot_general3A_86 = arith.constant dense<0.000000e+00> : vector<256x16xf32>
    %dot_general3A_87 = tpu.matmul %slice3A_82, %get3A_85, %dot_general3A_86 {dimension_numbers = #tpu.dot_dimension_numbers<[1], [0], [0], [1], [0, 0, 1, 1], [], []>, transpose_lhs_hint = false} : vector<256x64xf32>, vector<64x16xf32>, vector<256x16xf32> -> vector<256x16xf32>
    %convert_element_type3A_88 = arith.truncf %dot_general3A_87 : vector<256x16xf32> to vector<256x16xbf16>
    %slice3A_89 = vector.extract_strided_slice %max3A_18 {offsets = [0, 192], sizes = [256, 64], strides = [1, 1]} : vector<256x256xf32> to vector<256x64xf32>
    %get3A_90 = arith.constant 0 : index
    %get3A_91 = arith.constant 0 : index
    %get3A_92 = vector.load %arg6[%get3A_90, %get3A_91] : memref<64x16xf32, #tpu.memory_space<vmem>>, vector<64x16xf32>
    %dot_general3A_93 = arith.constant dense<0.000000e+00> : vector<256x16xf32>
    %dot_general3A_94 = tpu.matmul %slice3A_89, %get3A_92, %dot_general3A_93 {dimension_numbers = #tpu.dot_dimension_numbers<[1], [0], [0], [1], [0, 0, 1, 1], [], []>, transpose_lhs_hint = false} : vector<256x64xf32>, vector<64x16xf32>, vector<256x16xf32> -> vector<256x16xf32>
    %convert_element_type3A_95 = arith.truncf %dot_general3A_94 : vector<256x16xf32> to vector<256x16xbf16>
    %concatenate3A_96 = tpu.concatenate %convert_element_type3A_74, %convert_element_type3A_81, %convert_element_type3A_88, %convert_element_type3A_95 in 1 : vector<256x16xbf16>, vector<256x16xbf16>, vector<256x16xbf16>, vector<256x16xbf16> -> vector<256x64xbf16>
    %swap3A_97 = arith.constant 0 : index
    %swap3A_98 = arith.constant 0 : index
    %swap3A_99 = vector.load %arg8[%swap3A_97, %swap3A_98] : memref<256x64xbf16, #tpu.memory_space<vmem>>, vector<256x64xbf16>
    tpu.vector_store %arg8[%swap3A_97, %swap3A_98], %concatenate3A_96 {strides = array<i32>} : memref<256x64xbf16, #tpu.memory_space<vmem>>, vector<256x64xbf16>,
    return
  }
  func.func @transform_0(%arg0: i32) -> (i32, i32) {
    %c0_i32 = arith.constant 0 : i32
    %c0_i32_0 = arith.constant 0 : i32
    return %arg0, %c0_i32 : i32, i32
  }
  func.func @transform_1(%arg0: i32) -> (i32, i32) {
    %c0_i32 = arith.constant 0 : i32
    %c0_i32_0 = arith.constant 0 : i32
    %c0_i32_1 = arith.constant 0 : i32
    return %c0_i32, %c0_i32_0 : i32, i32
  }
  func.func @transform_2(%arg0: i32) -> (i32, i32) {
    %c0_i32 = arith.constant 0 : i32
    %c0_i32_0 = arith.constant 0 : i32
    return %arg0, %c0_i32 : i32, i32
  }
  func.func @transform_3(%arg0: i32) -> (i32, i32) {
    %c0_i32 = arith.constant 0 : i32
    %c0_i32_0 = arith.constant 0 : i32
    %c0_i32_1 = arith.constant 0 : i32
    return %c0_i32, %c0_i32_0 : i32, i32
  }
  func.func @transform_4(%arg0: i32) -> (i32, i32) {
    %c0_i32 = arith.constant 0 : i32
    %c0_i32_0 = arith.constant 0 : i32
    %c0_i32_1 = arith.constant 0 : i32
    return %c0_i32, %c0_i32_0 : i32, i32
  }
  func.func @transform_5(%arg0: i32) -> (i32, i32) {
    %c0_i32 = arith.constant 0 : i32
    %c0_i32_0 = arith.constant 0 : i32
    %c0_i32_1 = arith.constant 0 : i32
    return %c0_i32, %c0_i32_0 : i32, i32
  }
  func.func @transform_6(%arg0: i32) -> (i32, i32) {
    %c0_i32 = arith.constant 0 : i32
    %c0_i32_0 = arith.constant 0 : i32
    return %arg0, %c0_i32 : i32, i32
  }
  func.func @transform_7(%arg0: i32) -> (i32, i32) {
    %c0_i32 = arith.constant 0 : i32
    %c0_i32_0 = arith.constant 0 : i32
    return %arg0, %c0_i32 : i32, i32
  }
}

module attributes {stable_mosaic.version = 14 : i64} {
  func.func @body(%arg0: i32, %arg1: memref<256x2048xbf16, #tpu.memory_space<vmem>>, %arg2: memref<2048x64xbf16, #tpu.memory_space<vmem>>, %arg3: memref<256x64xbf16, #tpu.memory_space<vmem>>, %arg4: memref<256x64xf32, #tpu.memory_space<vmem>>) attributes {dimension_semantics = [#tpu.dimension_semantics<arbitrary>], iteration_bounds = array<i64: 8>, scalar_prefetch = 0 : i64, scratch_operands = 0 : i64, tpu.core_type = #tpu.core_type<tc>, window_params = [{transform_indices = @transform_0, window_bounds = array<i64: 256, 2048>}, {pipeline_mode = #tpu.pipeline_mode<synchronous>, transform_indices = @transform_1, window_bounds = array<i64: 2048, 64>}, {transform_indices = @transform_2, window_bounds = array<i64: 256, 64>}, {transform_indices = @transform_3, window_bounds = array<i64: 256, 64>}]} {
    %get3A = arith.constant 0 : index
    %get3A_0 = arith.constant 0 : index
    %get3A_1 = vector.load %arg1[%get3A, %get3A_0] : memref<256x2048xbf16, #tpu.memory_space<vmem>>, vector<256x2048xbf16>
    %get3A_2 = arith.constant 0 : index
    %get3A_3 = arith.constant 0 : index
    %get3A_4 = vector.load %arg2[%get3A_2, %get3A_3] : memref<2048x64xbf16, #tpu.memory_space<vmem>>, vector<2048x64xbf16>
    %dot_general3A = arith.constant dense<0.000000e+00> : vector<256x64xf32>
    %dot_general3A_5 = tpu.matmul %get3A_1, %get3A_4, %dot_general3A {dimension_numbers = #tpu.dot_dimension_numbers<[1], [0], [0], [1], [0, 0, 1, 1], [], []>, transpose_lhs_hint = false} : vector<256x2048xbf16>, vector<2048x64xbf16>, vector<256x64xf32> -> vector<256x64xf32>
    %convert_element_type3A = arith.extf %get3A_1 : vector<256x2048xbf16> to vector<256x2048xf32>
    %reduce_sum3A = arith.constant dense<0.000000e+00> : vector<256xf32>
    %reduce_sum3A_6 = vector.multi_reduction <add>, %convert_element_type3A, %reduce_sum3A [1] : vector<256x2048xf32> to vector<256xf32>
    %broadcast_in_dim3A = vector.shape_cast %reduce_sum3A_6 : vector<256xf32> to vector<256x1xf32>
    %max3A = arith.constant 1.000000e+00 : f32
    %max3A_7 = vector.broadcast %max3A : f32 to vector<256x1xf32>
    %max3A_8 = arith.maximumf %broadcast_in_dim3A, %max3A_7 : vector<256x1xf32>
    %div3A = arith.constant 1.000000e+00 : f32
    %div3A_9 = vector.broadcast %div3A : f32 to vector<256x1xf32>
    %div3A_10 = arith.divf %div3A_9, %max3A_8 : vector<256x1xf32>
    %get3A_11 = arith.constant 0 : index
    %get3A_12 = arith.constant 0 : index
    %get3A_13 = vector.load %arg3[%get3A_11, %get3A_12] : memref<256x64xbf16, #tpu.memory_space<vmem>>, vector<256x64xbf16>
    %convert_element_type3A_14 = arith.extf %get3A_13 : vector<256x64xbf16> to vector<256x64xf32>
    %mul3A = vector.broadcast %div3A_10 : vector<256x1xf32> to vector<256x64xf32>
    %mul3A_15 = arith.mulf %dot_general3A_5, %mul3A : vector<256x64xf32>
    %add3A = arith.addf %convert_element_type3A_14, %mul3A_15 : vector<256x64xf32>
    %swap3A = arith.constant 0 : index
    %swap3A_16 = arith.constant 0 : index
    %swap3A_17 = vector.load %arg4[%swap3A, %swap3A_16] : memref<256x64xf32, #tpu.memory_space<vmem>>, vector<256x64xf32>
    tpu.vector_store %arg4[%swap3A, %swap3A_16], %add3A {strides = array<i32>} : memref<256x64xf32, #tpu.memory_space<vmem>>, vector<256x64xf32>,
    return
  }
  func.func @transform_0(%arg0: i32) -> (i32, i32) {
    %c0_i32 = arith.constant 0 : i32
    %c0_i32_0 = arith.constant 0 : i32
    return %arg0, %c0_i32 : i32, i32
  }
  func.func @transform_1(%arg0: i32) -> (i32, i32) {
    %c0_i32 = arith.constant 0 : i32
    %c0_i32_0 = arith.constant 0 : i32
    %c0_i32_1 = arith.constant 0 : i32
    return %c0_i32, %c0_i32_0 : i32, i32
  }
  func.func @transform_2(%arg0: i32) -> (i32, i32) {
    %c0_i32 = arith.constant 0 : i32
    %c0_i32_0 = arith.constant 0 : i32
    return %arg0, %c0_i32 : i32, i32
  }
  func.func @transform_3(%arg0: i32) -> (i32, i32) {
    %c0_i32 = arith.constant 0 : i32
    %c0_i32_0 = arith.constant 0 : i32
    return %arg0, %c0_i32 : i32, i32
  }
}

</mosaic_0001>

<sc_bundles>
// kernel: kernel.12.cloned.1.call-start
scs
__scs_entry_jumppad:
0x0: {  	(pc) =	sbr.rel $0x88, $3  }
0x1: {  	(tag) =	ssettag $0x0;
	lr =	simm.s32 $0x1  }
0x2: {  	[smem:$0x3F86] =	sst lr;
	_ =	strace $0xD0000000  }
0x3: {  	_ = 	snop  }
0x4: {  	_ = 	snop  }
0x5: {  	_ = 	snop  }
0x6: {  	_ = 	snop  }
0x7: {  	_ = 	snop  }
__scs_overlays_trampoline_lowered:
0x8: {  	[smem:$0x3F95] =	sst s0  }
0x9: {  	[smem:$0x3F96] =	sst s1  }
0xa: {  	[smem:$0x3F97] =	sst s2  }
0xb: {  	[smem:$0x3F98] =	sst s3  }
0xc: {  	[smem:$0x3F99] =	sst s4  }
0xd: {  	[smem:$0x3F9A] =	sst s5  }
0xe: {  	[smem:$0x3F9B] =	sst s6  }
0xf: {  	[smem:$0x3F9C] =	sst s7  }
0x10: {  	[smem:$0x3F9D] =	sst s8  }
0x11: {  	[smem:$0x3F9E] =	sst s9;
	s0 =	simm.s32 @!p0 $0x0  }
0x12: {  	s1 =	sld [smem:$0x3F84];
	s0 =	simm.s32 @p0 $0x1  }
0x13: {  	[smem:$0x3F9F] =	sst s0;
	s0 =	simm.s32 @!p1 $0x0  }
0x14: {  	s2 =	sld [smem:$0x3F83];
	s0 =	simm.s32 @p1 $0x1  }
0x15: {  	[smem:$0x3FA0] =	sst s0;
	s0 =	simm.s32 @!p2 $0x0  }
0x16: {  	s3 =	sld [smem:$0x3FDB];
	s0 =	simm.s32 @p2 $0x1  }
0x17: {  	s4 =	simm.s32 $0x1BF5;
	[smem:$0x3FA2] =	sst s0  }
0x18: {  	s0 =	sld [smem:$0x3F85];
	_ =	swait.ge [sflag:s4], $0x0  }
0x19: {  	s7 =	sld [smem:$0x3F86]  }
0x1a: {  	s8 =	sadd.s32 $0xFFFFE003, lr  }
0x1b: {  	s9 =	sadd.s32 $0xFFFFFEF7, lr;
	s5 =	simm.s32 $0xFFFFFFFF;
	p2 =	slt.u32 s8, $0xFFFFF086  }
0x1c: {  	p1 =	slt.u32 s9, $0xF7A;
	s5 =	simm.s32 @!p2 $0x0  }
0x1d: {  	s5 =	simm.s32 @p1 $0x1;
	p0 =	seq.s32 s7, s2  }
0x1e: {  	s7 =	smul.u32 @!p0 $0xF7A, s2;
	p2 =	seq.s32 @!p0 s5, $0x0  }
0x1f: {  	s9 =	smul.u32 $0xF7A, s1;
	s8 =	simm.s32 @!p0 $0x1BF5;
	p2 =	por !p2, p0  }
0x20: {  	[sflag:s8] =	ssyncset.s32 @!p0 $0xFFFFF086;
	s6 =	sadd.s32 @!p0 s3, s7;
	s7 =	simm.s32 @!p0 $0x108  }
0x21: {  	s3 =	sadd.s32 s3, s9;
	s6 =	sadd.s32 @!p0 $0x88, s6;
	s7 =	simm.s32 @p2 $0x1082  }
0x22: {  	[simem:s7], [sflag:s8] =	dma.local @!p0 [hbm:s6], $0xF7A  }
0x23: {  	s9 =	sor.u32 $0xD0000000, s2;
	s6 =	simm.s32 $0x108;
	_ =	swait.ge @!p0 [sflag:s8], $0x0  }
0x24: {  	s3 =	sadd.s32 $0x88, s3;
	s6 =	simm.s32 @!p1 $0x1082;
	[sflag:s4] =	ssyncset.s32 $0xFFFFF086  }
0x25: {  	[simem:s6], [sflag:s4] =	dma.local [hbm:s3], $0xF7A  }
0x26: {  	[smem:$0x3F86] =	sst s1;
	(tag) =	ssettag s2;
	_ =	strace s9  }
0x27: {  	s1 =	sld [smem:$0x3F96]  }
0x28: {  	s2 =	sld [smem:$0x3F97]  }
0x29: {  	s4 =	sld [smem:$0x3F99]  }
0x2a: {  	p0 =	seq.s32 s5, $0x0;
	s5 =	sld [smem:$0x3F9A]  }
0x2b: {  	s6 =	sld [smem:$0x3F9B]  }
0x2c: {  	s7 =	sld [smem:$0x3F9C]  }
0x2d: {  	s3 =	simm.s32 $0x108;
	s8 =	sld [smem:$0x3F9D]  }
0x2e: {  	s3 =	simm.s32 @!p0 $0x1082;
	s9 =	sld [smem:$0x3F9E]  }
0x2f: {  	lr =	sadd.s32 s0, s3;
	s0 =	sld [smem:$0x3F95]  }
0x30: {  	s3 =	sld [smem:$0x3F98]  }
0x31: {  	[smem:$0x3FA1] =	sst s10  }
0x32: {  	s10 =	sld [smem:$0x3F9F];
	_ =	sdelay $0x3  }
0x33: {  	p0 =	seq.s32 s10, $0x1;
	s10 =	sld [smem:$0x3FA1];
	_ =	sdelay $0x3  }
0x34: {  	[smem:$0x3FA1] =	sst s10  }
0x35: {  	s10 =	sld [smem:$0x3FA0];
	_ =	sdelay $0x3  }
0x36: {  	p1 =	seq.s32 s10, $0x1;
	s10 =	sld [smem:$0x3FA1];
	_ =	sdelay $0x3  }
0x37: {  	[smem:$0x3FA1] =	sst s10  }
0x38: {  	s10 =	sld [smem:$0x3FA2]  }
0x39: {  	_ = 	snop;
	(pc) =	sbr.ind lr, $3  }
0x3a: {  	_ = 	snop  }
0x3b: {  	_ = 	snop  }
0x3c: {  	p2 =	seq.s32 s10, $0x1;
	s10 =	sld [smem:$0x3FA1]  }
0x3d: {  	_ =	shalt  }
0x3e: {  	_ =	shalt  }
0x3f: {  	_ =	shalt  }
0x40: {  	_ =	shalt  }
0x41: {  	_ =	shalt  }
0x42: {  	_ =	shalt  }
0x43: {  	_ =	shalt  }
0x44: {  	_ =	shalt  }
0x45: {  	_ =	shalt  }
0x46: {  	_ =	shalt  }
0x47: {  	_ =	shalt  }
0x48: {  	_ =	shalt  }
0x49: {  	_ =	shalt  }
0x4a: {  	_ =	shalt  }
0x4b: {  	_ =	shalt  }
0x4c: {  	_ =	shalt  }
0x4d: {  	_ =	shalt  }
0x4e: {  	_ =	shalt  }
0x4f: {  	_ =	shalt  }
0x50: {  	_ =	shalt  }
0x51: {  	_ =	shalt  }
0x52: {  	_ =	shalt  }
0x53: {  	_ =	shalt  }
0x54: {  	_ =	shalt  }
0x55: {  	_ =	shalt  }
0x56: {  	_ =	shalt  }
0x57: {  	_ =	shalt  }
0x58: {  	_ =	shalt  }
0x59: {  	_ =	shalt  }
0x5a: {  	_ =	shalt  }
0x5b: {  	_ =	shalt  }
0x5c: {  	_ =	shalt  }
0x5d: {  	_ =	shalt  }
0x5e: {  	_ =	shalt  }
0x5f: {  	_ =	shalt  }
0x60: {  	_ =	shalt  }
0x61: {  	_ =	shalt  }
0x62: {  	_ =	shalt  }
0x63: {  	_ =	shalt  }
0x64: {  	_ =	shalt  }
0x65: {  	_ =	shalt  }
0x66: {  	_ =	shalt  }
0x67: {  	_ =	shalt  }
0x68: {  	_ =	shalt  }
0x69: {  	_ =	shalt  }
0x6a: {  	_ =	shalt  }
0x6b: {  	_ =	shalt  }
0x6c: {  	_ =	shalt  }
0x6d: {  	_ =	shalt  }
0x6e: {  	_ =	shalt  }
0x6f: {  	_ =	shalt  }
0x70: {  	_ =	shalt  }
0x71: {  	_ =	shalt  }
0x72: {  	_ =	shalt  }
0x73: {  	_ =	shalt  }
0x74: {  	_ =	shalt  }
0x75: {  	_ =	shalt  }
0x76: {  	_ =	shalt  }
0x77: {  	_ =	shalt  }
0x78: {  	_ =	shalt  }
0x79: {  	_ =	shalt  }
0x7a: {  	_ =	shalt  }
0x7b: {  	_ =	shalt  }
0x7c: {  	_ =	shalt  }
0x7d: {  	_ =	shalt  }
0x7e: {  	_ =	shalt  }
0x7f: {  	_ =	shalt  }
0x80: {  	_ =	shalt  }
0x81: {  	_ =	shalt  }
0x82: {  	_ =	shalt  }
0x83: {  	_ =	shalt  }
0x84: {  	_ =	shalt  }
0x85: {  	_ =	shalt  }
0x86: {  	_ =	shalt  }
0x87: {  	_ =	shalt  }
.Lfunc_end0:
.L_simem_size_0:
called_computation_lowered:
.L_overlay_start_0:
0x88: {  	s2 =	sld [smem:$0x3FD9]  }
0x89: {  	s3 =	sld [smem:$0x3FFE];
	_ =	sdelay $0x1  }
0x8a: {  	s1 =	srdreg.scid  }
0x8b: {  	s0 =	sand.u32 $0x1, s1  }
0x8c: {  	s17 =	sshll.u32 s0, $0xA;
	s2 =	sadd.s32 s3, s2  }
0x8d: {  	s2 =	sadd.s32 s2, s17  }
0x8e: {  	[smem:$0x3FAD] =	sst s2  }
0x8f: {  	_ = 	snop  }
0x90: {  	s2 =	sld [smem:$0x3FD0];
	(tm) =	ssettm $0x1  }
0x91: {  	s18 =	sld [smem:$0x3FFB];
	_ =	sdelay $0x3  }
0x92: {  	_ =	strace s18  }
0x93: {  	s3 =	sld [smem:$0x3FFC];
	_ =	sdelay $0x3  }
0x94: {  	_ =	strace s3  }
0x95: {  	s3 =	sld [smem:$0x3FFD];
	_ =	sdelay $0x3  }
0x96: {  	_ =	strace s3  }
0x97: {  	_ =	strace $0x8FFFFFFF  }
0x98: {  	s19 =	sld [smem:$0x3FDB];
	_ =	sdelay $0x1  }
0x99: {  	s4 =	simm.s32 $_scs_section_size  }
0x9a: {  	s5 =	simm.s32 $_size__tile_overlayer_lowered;
	s6 =	simm.s32 $_tile_overlayer_lowered  }
0x9b: {  	s22 =	simm.s32 $0x1BFF;
	s21 =	sshll.u32 s6, $0x1;
	s3 =	sadd.s32 s4, s19  }
0x9c: {  	s7 =	simm.s32 $0x0;
	s20 =	sshll.u32 s5, $0x1;
	s5 =	sadd.s32 s21, s3  }
0x9d: {  	[timem:s7], [sflag:s22] =	dma.local [hbm:s5], s20  }
0x9e: {  	_ =	swait.ge [sflag:s22], s20  }
0x9f: {  	s4 =	ssub.s32 $0x0, s20;
	[sflag:s22] =	ssyncset.done $0x0  }
0xa0: {  	[sflag:s22] =	ssyncadd.s32 s4;
	_ =	sdelay $0x1  }
0xa1: {  	s23 =	simm.s32 $0x1B8B  }
0xa2: {  	_ =	swait.ge [sflag:s23], $0x1  }
0xa3: {  	[sflag:s23] =	ssyncset.done $0x0  }
0xa4: {  	s25 =	simm.s32 $0x1B8E;
	s24 =	sld [smem:$0x3FFE];
	[sflag:s23] =	ssyncadd.s32 $0xFFFFFFFF  }
0xa5: {  	s26 =	simm.s32 $execute0_lowered;
	[smem:$0x3FD2] =	sst s25  }
0xa6: {  	s5 =	sshll.u32 s26, $0x1;
	_ =	strace $0x80000046;
	[dreg:$0x1] =	wrdreg $0xFFFFFFFF  }
0xa7: {  	s28 =	simm.s32 $_size_execute0_lowered;
	s3 =	sadd.s32 s3, s5;
	[dreg:$0x0] =	wrdreg $0x0  }
0xa8: {  	s5 =	sshll.u32 s28, $0x1;
	[dreg:$0x2] =	wrdreg s3  }
0xa9: {  	[dreg:$0x3] =	wrdreg s5  }
0xaa: {  	[dreg:$0x4] =	wrdreg $0xC0  }
0xab: {  	_ =	task [dreg:s7], $0x5FFFF  }
0xac: {  	[dreg:$0x1] =	wrdreg $0xFFFFFFFF  }
0xad: {  	[dreg:$0x0] =	wrdreg $0x60  }
0xae: {  	[dreg:$0x2] =	wrdreg s24  }
0xaf: {  	[dreg:$0x3] =	wrdreg s2  }
0xb0: {  	[dreg:$0x4] =	wrdreg $0x9  }
0xb1: {  	_ =	task.clear_ibuf [dreg:s7], $0x5FFFF;
	_ =	strace $0x90000046  }
0xb2: {  	s29 =	simm.s32 $0x9;
	_ =	strace $0x80000048  }
0xb3: {  	_ =	swait.ge [sflag:s29], $0x1  }
0xb4: {  	[sflag:s29] =	ssyncadd.s32 $0xFFFFFFFF  }
0xb5: {  	_ =	strace $0x90000048  }
0xb6: {  	_ =	sfence  }
0xb7: {  	s30 =	sld [smem:$0x0];
	_ =	sdelay $0x2  }
0xb8: {  	s31 =	sshll.u32 s1, $0xD;
	s1 =	sshrl.u32 s1, $0x2  }
0xb9: {  	s3 =	sand.u32 $0x4000, s31;
	s1 =	sadd.s32 s1, s30  }
0xba: {  	s0 =	sor.u32 s3, s0;
	s1 =	sshll.u32 s1, $0x11  }
0xbb: {  	s0 =	sor.u32 s1, s0  }
0xbc: {  	s0 =	sadd.s32 $0x8F2B, s0  }
0xbd: {  	[sflag:s0] =	ssyncadd.remote.s32 $0x1  }
0xbe: {  	_ =	sfence.sel $0xFFFF  }
0xbf: {  	[dreg:$0x0] =	wrdreg $0xFFFFFFFF;
	(pc) =	sbr.abs _section_cstart, $3  }
0xc0: {  	[dreg:$0x1] =	wrdreg $0xFFFFFFFF  }
0xc1: {  	_ =	task.clear_ibuf [dreg:s7], $0x2FFFF;
	_ =	strace $0x9FFFFFFF  }
0xc2: {  	(tm) =	ssettm $0x7FFFFFFF  }
0xc3: {  	_ =	shalt  }
tec
execute0_lowered:
.L_overlay_start_1:
0x0: {  	(tag) =	ssettag $0x1  }
0x1: {  	s5 =	rddreg [dreg:$0x0]  }
0x2: {  	s1 =	rddreg [dreg:$0x1]  }
0x3: {  	s0 =	rddreg [dreg:$0x2]  }
0x4: {  	s3 =	simm.s32 $0x0;
	s4 =	srdreg.scid;
	s2 =	stileid.u32  }
0x5: {  	s12 =	simm.s32 $0x3;
	s13 =	simm.s32 $0x0;
	[smem:$0x7FF] =	sst s3  }
0x6: {  	s6 =	sand.u32 $0x1, s4;
	s4 =	sadd.s32 $0x5A00, s5;
	s8 =	sshll.u32 s2, $0x1  }
0x7: {  	s9 =	sadd.s32 $0x6600, s5;
	s7 =	ssub.s32 $0x2, s6;
	s6 =	sor.u32 s6, s8  }
0x8: {  	_ =	strace $0x80000047;
	s29 =	sshrl.u32 s7, $0x1;
	s30 =	sshll.u32 s6, $0xE  }
0x9: {  	s8 =	sshllo.u32 s6, $0x1;
	s10 =	sshll.u32 s6, $0x6;
	s7 =	ssub.s32 s7, s29  }
0xa: {  	s5 =	sadd.s32 s9, s30;
	s31 =	sshll.u32 s8, $0xD;
	s11 =	sshll.u32 s8, $0x5  }
0xb: {  	v0 =	vmov s10;
	s8 =	simm.s32 $0x6000;
	s10 =	simm.s32 $0x2;
	s6 =	sadd.s32 s9, s31  }
0xc: {  	v2 =	vimm.f32 $0.0e+00;
	v3 =	vimm.f32 $1.000000000e+00;
	s7 =	smax.u32 s7, $0x1;
	s9 =	simm.s32 $0x1;
	v1 =	vmov s11;
	s11 =	simm.s32 $0xC000  }
.LBB2_1:
0xd: {  	[tilespmem:s3], [sflag:$0x1] =	stream.linear.gather [hbm4b:s4+s3], $0x6000, $0x38;
	[tilespmem:$0x1C000] =	vst v63  }
0xe: {  	_ = 	snop  }
0xf: {  	[tilespmem:s8], [sflag:$0x2] =	stream.linear.gather [hbm4b:s1+s3], $0x6000, $0x38;
	[tilespmem:$0x1C000] =	vst v63  }
0x10: {  	_ =	swait.ge [sflag:s9], $0x6000  }
0x11: {  	[sflag:s9] =	ssyncset.done $0x0  }
0x12: {  	[sflag:s9] =	ssyncadd.s32 $0xFFFFA000  }
0x13: {  	_ =	swait.ge [sflag:s10], $0x6000  }
0x14: {  	[sflag:s10] =	ssyncset.done $0x0  }
0x15: {  	s14 =	simm.s32 $0x0;
	s15 =	simm.s32 $0x200;
	[sflag:s10] =	ssyncadd.s32 $0xFFFFA000  }
.LBB2_2:
0x16: {  	p0 =	sne.s32 s15, $0x3FE00;
	[tilespmem:s14+$0xC070] =	vst v2  }
0x17: {  	[tilespmem:s14+$0xC000] =	vst v2  }
0x18: {  	[tilespmem:s14+$0xC010] =	vst v2  }
.Ltmp0:
0x19: {  	[tilespmem:s14+$0xC020] =	vst v2;
	(pc) =	sbr.rel @p0 .LBB2_2-.Ltmp0, $4  }
0x1a: {  	[tilespmem:s14+$0xC030] =	vst v2  }
0x1b: {  	[tilespmem:s14+$0xC040] =	vst v2  }
0x1c: {  	[tilespmem:s14+$0xC050] =	vst v2  }
0x1d: {  	[tilespmem:s14+$0xC060] =	vst v2;
	s14 =	sshra.s32 s15, $0x2;
	s15 =	sadd.s32 $0x200, s15  }
0x1e: {  	[tilespmem:s14+$0xC070] =	vst v2  }
0x1f: {  	[tilespmem:s14+$0xC000] =	vst v2  }
0x20: {  	[tilespmem:s14+$0xC010] =	vst v2  }
0x21: {  	[tilespmem:s14+$0xC020] =	vst v2  }
0x22: {  	[tilespmem:s14+$0xC030] =	vst v2  }
0x23: {  	[tilespmem:s14+$0xC040] =	vst v2  }
0x24: {  	[tilespmem:s14+$0xC050] =	vst v2  }
0x25: {  	[tilespmem:s14+$0xC060] =	vst v2;
	s14 =	simm.s32 $0x0  }
.LBB2_4:
0x26: {  	s15 =	sshra.s32 s14, $0x2  }
0x27: {  	v4 =	vld [tilespmem:s15+$0x0];
	_ =	sdelay $0x1  }
0x28: {  	v5 =	vld [tilespmem:s15+$0x6000];
	_ =	sdelay $0x2  }
0x29: {  	v4 =	vsub.s32 v4, v0  }
0x2a: {  	v6 =	vshll.u32 v4, $0xB  }
0x2b: {  	v5 =	vadd.s32 v5, v6  }
0x2c: {  	vm0 =	vgt.s32 v5, $0x0  }
0x2d: {  	vm1 =	vlt.u32 v4, $0x20;
	v4 =	vnsel vm0, $0x0, v5  }
0x2e: {  	v4 =	vmin.u32 v4, $0xFFFF;
	_ =	sdelay $0x4  }
0x2f: {  	[tilespmem:v4+s11+$0x0] =	vst.idx.add.f32.msk vm1, v3  }
0x30: {  	v4 =	vld [tilespmem:s15+$0x10];
	_ =	sdelay $0x1  }
0x31: {  	v5 =	vld [tilespmem:s15+$0x6010];
	_ =	sdelay $0x2  }
0x32: {  	v4 =	vsub.s32 v4, v0  }
0x33: {  	v57 =	vshll.u32 v4, $0xB  }
0x34: {  	v5 =	vadd.s32 v5, v57  }
0x35: {  	vm14 =	vgt.s32 v5, $0x0  }
0x36: {  	vm15 =	vlt.u32 v4, $0x20;
	v4 =	vnsel vm14, $0x0, v5  }
0x37: {  	v4 =	vmin.u32 v4, $0xFFFF;
	_ =	sdelay $0x4  }
0x38: {  	[tilespmem:v4+s11+$0x0] =	vst.idx.add.f32.msk vm15, v3  }
0x39: {  	v4 =	vld [tilespmem:s15+$0x20];
	_ =	sdelay $0x1  }
0x3a: {  	v5 =	vld [tilespmem:s15+$0x6020];
	_ =	sdelay $0x2  }
0x3b: {  	v4 =	vsub.s32 v4, v0  }
0x3c: {  	v58 =	vshll.u32 v4, $0xB  }
0x3d: {  	v5 =	vadd.s32 v5, v58  }
0x3e: {  	vm4 =	vgt.s32 v5, $0x0  }
0x3f: {  	vm5 =	vlt.u32 v4, $0x20;
	v4 =	vnsel vm4, $0x0, v5  }
0x40: {  	v4 =	vmin.u32 v4, $0xFFFF;
	_ =	sdelay $0x4  }
0x41: {  	[tilespmem:v4+s11+$0x0] =	vst.idx.add.f32.msk vm5, v3  }
0x42: {  	v4 =	vld [tilespmem:s15+$0x30];
	_ =	sdelay $0x1  }
0x43: {  	v5 =	vld [tilespmem:s15+$0x6030];
	_ =	sdelay $0x2  }
0x44: {  	v4 =	vsub.s32 v4, v0  }
0x45: {  	v59 =	vshll.u32 v4, $0xB  }
0x46: {  	v5 =	vadd.s32 v5, v59  }
0x47: {  	vm6 =	vgt.s32 v5, $0x0  }
0x48: {  	vm7 =	vlt.u32 v4, $0x20;
	v4 =	vnsel vm6, $0x0, v5  }
0x49: {  	v4 =	vmin.u32 v4, $0xFFFF;
	_ =	sdelay $0x4  }
0x4a: {  	[tilespmem:v4+s11+$0x0] =	vst.idx.add.f32.msk vm7, v3  }
0x4b: {  	v4 =	vld [tilespmem:s15+$0x40];
	_ =	sdelay $0x1  }
0x4c: {  	v5 =	vld [tilespmem:s15+$0x6040];
	_ =	sdelay $0x2  }
0x4d: {  	v4 =	vsub.s32 v4, v0  }
0x4e: {  	v60 =	vshll.u32 v4, $0xB  }
0x4f: {  	v5 =	vadd.s32 v5, v60  }
0x50: {  	vm8 =	vgt.s32 v5, $0x0  }
0x51: {  	vm9 =	vlt.u32 v4, $0x20;
	v4 =	vnsel vm8, $0x0, v5  }
0x52: {  	v4 =	vmin.u32 v4, $0xFFFF;
	_ =	sdelay $0x4  }
0x53: {  	[tilespmem:v4+s11+$0x0] =	vst.idx.add.f32.msk vm9, v3  }
0x54: {  	v4 =	vld [tilespmem:s15+$0x50];
	_ =	sdelay $0x1  }
0x55: {  	v5 =	vld [tilespmem:s15+$0x6050];
	_ =	sdelay $0x2  }
0x56: {  	v4 =	vsub.s32 v4, v0  }
0x57: {  	v61 =	vshll.u32 v4, $0xB  }
0x58: {  	v5 =	vadd.s32 v5, v61  }
0x59: {  	vm10 =	vgt.s32 v5, $0x0  }
0x5a: {  	vm11 =	vlt.u32 v4, $0x20;
	v4 =	vnsel vm10, $0x0, v5  }
0x5b: {  	v4 =	vmin.u32 v4, $0xFFFF;
	_ =	sdelay $0x4  }
0x5c: {  	[tilespmem:v4+s11+$0x0] =	vst.idx.add.f32.msk vm11, v3  }
0x5d: {  	v4 =	vld [tilespmem:s15+$0x60];
	_ =	sdelay $0x1  }
0x5e: {  	v5 =	vld [tilespmem:s15+$0x6060];
	_ =	sdelay $0x2  }
0x5f: {  	v4 =	vsub.s32 v4, v0  }
0x60: {  	v62 =	vshll.u32 v4, $0xB  }
0x61: {  	v5 =	vadd.s32 v5, v62  }
0x62: {  	vm12 =	vgt.s32 v5, $0x0  }
0x63: {  	vm13 =	vlt.u32 v4, $0x20;
	v4 =	vnsel vm12, $0x0, v5  }
0x64: {  	v4 =	vmin.u32 v4, $0xFFFF;
	_ =	sdelay $0x4  }
0x65: {  	[tilespmem:v4+s11+$0x0] =	vst.idx.add.f32.msk vm13, v3  }
0x66: {  	v4 =	vld [tilespmem:s15+$0x70];
	_ =	sdelay $0x1  }
0x67: {  	v5 =	vld [tilespmem:s15+$0x6070];
	_ =	sdelay $0x2  }
0x68: {  	v4 =	vsub.s32 v4, v0  }
0x69: {  	v63 =	vshll.u32 v4, $0xB  }
0x6a: {  	v5 =	vadd.s32 v5, v63  }
0x6b: {  	vm14 =	vgt.s32 v5, $0x0  }
0x6c: {  	vm15 =	vlt.u32 v4, $0x20;
	v4 =	vnsel vm14, $0x0, v5  }
0x6d: {  	p0 =	sne.s32 s14, $0x17E00;
	v4 =	vmin.u32 v4, $0xFFFF  }
.Ltmp1:
0x6e: {  	_ = 	snop;
	(pc) =	sbr.rel @p0 .LBB2_4-.Ltmp1, $2  }
0x6f: {  	_ =	sdelay $0x2  }
0x70: {  	s14 =	sadd.s32 $0x200, s14;
	[tilespmem:v4+s11+$0x0] =	vst.idx.add.f32.msk vm15, v3  }
0x71: {  	s14 =	simm.s32 $0x0  }
0x72: {  	[hbm4b:s5+s14] =	stream.linear.scatter [tilespmem:s11], [sflag:$0x3], $0x10000, $0x38;
	[tilespmem:$0x1C000] =	vst v63  }
0x73: {  	_ =	swait.ge [sflag:s12], $0x10000  }
0x74: {  	[sflag:s12] =	ssyncset.done $0x0  }
0x75: {  	s15 =	simm.s32 $0x0;
	s16 =	simm.s32 $0x200;
	[sflag:s12] =	ssyncadd.s32 $0xFFFF0000  }
.LBB2_6:
0x76: {  	p0 =	sne.s32 s16, $0x3FE00;
	[tilespmem:s15+$0xC070] =	vst v2  }
0x77: {  	[tilespmem:s15+$0xC000] =	vst v2  }
0x78: {  	[tilespmem:s15+$0xC010] =	vst v2  }
.Ltmp2:
0x79: {  	[tilespmem:s15+$0xC020] =	vst v2;
	(pc) =	sbr.rel @p0 .LBB2_6-.Ltmp2, $4  }
0x7a: {  	[tilespmem:s15+$0xC030] =	vst v2  }
0x7b: {  	[tilespmem:s15+$0xC040] =	vst v2  }
0x7c: {  	[tilespmem:s15+$0xC050] =	vst v2  }
0x7d: {  	[tilespmem:s15+$0xC060] =	vst v2;
	s15 =	sshra.s32 s16, $0x2;
	s16 =	sadd.s32 $0x200, s16  }
0x7e: {  	[tilespmem:s15+$0xC070] =	vst v2  }
0x7f: {  	[tilespmem:s15+$0xC000] =	vst v2  }
0x80: {  	[tilespmem:s15+$0xC010] =	vst v2  }
0x81: {  	[tilespmem:s15+$0xC020] =	vst v2  }
0x82: {  	[tilespmem:s15+$0xC030] =	vst v2  }
0x83: {  	[tilespmem:s15+$0xC040] =	vst v2  }
0x84: {  	[tilespmem:s15+$0xC050] =	vst v2  }
0x85: {  	[tilespmem:s15+$0xC060] =	vst v2  }
.LBB2_8:
0x86: {  	s15 =	sshra.s32 s14, $0x2  }
0x87: {  	v4 =	vld [tilespmem:s15+$0x0];
	_ =	sdelay $0x1  }
0x88: {  	v5 =	vld [tilespmem:s15+$0x6000];
	_ =	sdelay $0x2  }
0x89: {  	v4 =	vsub.s32 v4, v1  }
0x8a: {  	v6 =	vshll.u32 v4, $0xB  }
0x8b: {  	v5 =	vadd.s32 v5, v6  }
0x8c: {  	vm0 =	vgt.s32 v5, $0x0  }
0x8d: {  	vm1 =	vlt.u32 v4, $0x20;
	v4 =	vnsel vm0, $0x0, v5  }
0x8e: {  	v4 =	vmin.u32 v4, $0xFFFF;
	_ =	sdelay $0x4  }
0x8f: {  	[tilespmem:v4+s11+$0x0] =	vst.idx.add.f32.msk vm1, v3  }
0x90: {  	v4 =	vld [tilespmem:s15+$0x10];
	_ =	sdelay $0x1  }
0x91: {  	v5 =	vld [tilespmem:s15+$0x6010];
	_ =	sdelay $0x2  }
0x92: {  	v4 =	vsub.s32 v4, v1  }
0x93: {  	v57 =	vshll.u32 v4, $0xB  }
0x94: {  	v5 =	vadd.s32 v5, v57  }
0x95: {  	vm14 =	vgt.s32 v5, $0x0  }
0x96: {  	vm15 =	vlt.u32 v4, $0x20;
	v4 =	vnsel vm14, $0x0, v5  }
0x97: {  	v4 =	vmin.u32 v4, $0xFFFF;
	_ =	sdelay $0x4  }
0x98: {  	[tilespmem:v4+s11+$0x0] =	vst.idx.add.f32.msk vm15, v3  }
0x99: {  	v4 =	vld [tilespmem:s15+$0x20];
	_ =	sdelay $0x1  }
0x9a: {  	v5 =	vld [tilespmem:s15+$0x6020];
	_ =	sdelay $0x2  }
0x9b: {  	v4 =	vsub.s32 v4, v1  }
0x9c: {  	v58 =	vshll.u32 v4, $0xB  }
0x9d: {  	v5 =	vadd.s32 v5, v58  }
0x9e: {  	vm4 =	vgt.s32 v5, $0x0  }
0x9f: {  	vm5 =	vlt.u32 v4, $0x20;
	v4 =	vnsel vm4, $0x0, v5  }
0xa0: {  	v4 =	vmin.u32 v4, $0xFFFF;
	_ =	sdelay $0x4  }
0xa1: {  	[tilespmem:v4+s11+$0x0] =	vst.idx.add.f32.msk vm5, v3  }
0xa2: {  	v4 =	vld [tilespmem:s15+$0x30];
	_ =	sdelay $0x1  }
0xa3: {  	v5 =	vld [tilespmem:s15+$0x6030];
	_ =	sdelay $0x2  }
0xa4: {  	v4 =	vsub.s32 v4, v1  }
0xa5: {  	v59 =	vshll.u32 v4, $0xB  }
0xa6: {  	v5 =	vadd.s32 v5, v59  }
0xa7: {  	vm6 =	vgt.s32 v5, $0x0  }
0xa8: {  	vm7 =	vlt.u32 v4, $0x20;
	v4 =	vnsel vm6, $0x0, v5  }
0xa9: {  	v4 =	vmin.u32 v4, $0xFFFF;
	_ =	sdelay $0x4  }
0xaa: {  	[tilespmem:v4+s11+$0x0] =	vst.idx.add.f32.msk vm7, v3  }
0xab: {  	v4 =	vld [tilespmem:s15+$0x40];
	_ =	sdelay $0x1  }
0xac: {  	v5 =	vld [tilespmem:s15+$0x6040];
	_ =	sdelay $0x2  }
0xad: {  	v4 =	vsub.s32 v4, v1  }
0xae: {  	v60 =	vshll.u32 v4, $0xB  }
0xaf: {  	v5 =	vadd.s32 v5, v60  }
0xb0: {  	vm8 =	vgt.s32 v5, $0x0  }
0xb1: {  	vm9 =	vlt.u32 v4, $0x20;
	v4 =	vnsel vm8, $0x0, v5  }
0xb2: {  	v4 =	vmin.u32 v4, $0xFFFF;
	_ =	sdelay $0x4  }
0xb3: {  	[tilespmem:v4+s11+$0x0] =	vst.idx.add.f32.msk vm9, v3  }
0xb4: {  	v4 =	vld [tilespmem:s15+$0x50];
	_ =	sdelay $0x1  }
0xb5: {  	v5 =	vld [tilespmem:s15+$0x6050];
	_ =	sdelay $0x2  }
0xb6: {  	v4 =	vsub.s32 v4, v1  }
0xb7: {  	v61 =	vshll.u32 v4, $0xB  }
0xb8: {  	v5 =	vadd.s32 v5, v61  }
0xb9: {  	vm10 =	vgt.s32 v5, $0x0  }
0xba: {  	vm11 =	vlt.u32 v4, $0x20;
	v4 =	vnsel vm10, $0x0, v5  }
0xbb: {  	v4 =	vmin.u32 v4, $0xFFFF;
	_ =	sdelay $0x4  }
0xbc: {  	[tilespmem:v4+s11+$0x0] =	vst.idx.add.f32.msk vm11, v3  }
0xbd: {  	v4 =	vld [tilespmem:s15+$0x60];
	_ =	sdelay $0x1  }
0xbe: {  	v5 =	vld [tilespmem:s15+$0x6060];
	_ =	sdelay $0x2  }
0xbf: {  	v4 =	vsub.s32 v4, v1  }
0xc0: {  	v62 =	vshll.u32 v4, $0xB  }
0xc1: {  	v5 =	vadd.s32 v5, v62  }
0xc2: {  	vm12 =	vgt.s32 v5, $0x0  }
0xc3: {  	vm13 =	vlt.u32 v4, $0x20;
	v4 =	vnsel vm12, $0x0, v5  }
0xc4: {  	v4 =	vmin.u32 v4, $0xFFFF;
	_ =	sdelay $0x4  }
0xc5: {  	[tilespmem:v4+s11+$0x0] =	vst.idx.add.f32.msk vm13, v3  }
0xc6: {  	v4 =	vld [tilespmem:s15+$0x70];
	_ =	sdelay $0x1  }
0xc7: {  	v5 =	vld [tilespmem:s15+$0x6070];
	_ =	sdelay $0x2  }
0xc8: {  	v4 =	vsub.s32 v4, v1  }
0xc9: {  	v63 =	vshll.u32 v4, $0xB  }
0xca: {  	v5 =	vadd.s32 v5, v63  }
0xcb: {  	vm14 =	vgt.s32 v5, $0x0  }
0xcc: {  	vm15 =	vlt.u32 v4, $0x20;
	v4 =	vnsel vm14, $0x0, v5  }
0xcd: {  	p0 =	sne.s32 s14, $0x17E00;
	v4 =	vmin.u32 v4, $0xFFFF  }
.Ltmp3:
0xce: {  	_ = 	snop;
	(pc) =	sbr.rel @p0 .LBB2_8-.Ltmp3, $2  }
0xcf: {  	_ =	sdelay $0x2  }
0xd0: {  	s14 =	sadd.s32 $0x200, s14;
	[tilespmem:v4+s11+$0x0] =	vst.idx.add.f32.msk vm15, v3  }
0xd1: {  	s13 =	sadd.s32 $0x1, s13  }
0xd2: {  	p0 =	sne.s32 s13, s7  }
.Ltmp4:
0xd3: {  	_ = 	snop;
	(pc) =	sbr.rel @p0 .LBB2_1-.Ltmp4, $4  }
0xd4: {  	[hbm4b:s6+s3] =	stream.linear.scatter [tilespmem:s11], [sflag:$0x3], $0x10000, $0x38;
	[tilespmem:$0x1C000] =	vst v63  }
0xd5: {  	_ =	swait.ge [sflag:s12], $0x10000  }
0xd6: {  	[sflag:s12] =	ssyncset.done $0x0  }
0xd7: {  	[sflag:s12] =	ssyncadd.s32 $0xFFFF0000  }
0xd8: {  	_ =	sfence.sel $0x180000  }
0xd9: {  	[bflag:$0x0] =	sbarrier.arrive $0xFFFF  }
0xda: {  	p0 =	sne.s32 s2, $0x0;
	_ =	strace $0x90000047  }
0xdb: {  	s0 =	sadd.s32 @!p0 $0x100000, s0;
	[bflag:$0x2] =	sbarrier.arrive $0xFFFF  }
0xdc: {  	[sflag:s0] =	ssyncadd.tile.s32 @!p0 $0x1;
	_ =	shalt  }
.Lfunc_end2:
_tile_overlayer_lowered:
.L_overlay_start_2:
0xdd: {  	(tag) =	ssettag $0x2  }
0xde: {  	s0 =	rddreg [dreg:$0x0];
	s2 =	stileid.u32  }
0xdf: {  	s1 =	rddreg [dreg:$0x1];
	p0 =	sne.s32 s2, $0x0  }
0xe0: {  	s3 =	rddreg [dreg:$0x2];
	[bflag:$0x3] =	sbarrier.arrive $0xFFFF;
	s2 =	simm.s32 @!p0 $0x1C03  }
0xe1: {  	[timem:s3], [sflag:s2] =	dma.local @!p0 [hbm:s0], s1  }
0xe2: {  	s0 =	simm.s32 @!p0 $0x3  }
0xe3: {  	_ =	swait.ge @!p0 [sflag:s0], s1  }
0xe4: {  	s1 =	ssub.s32 @!p0 $0x0, s1;
	[sflag:s0] =	ssyncset.done @!p0 $0x0  }
0xe5: {  	[sflag:s0] =	ssyncadd.s32 @!p0 s1  }
0xe6: {  	[bflag:$0x3] =	sbarrier.arrive $0xFFFF  }
0xe7: {  	_ =	shalt  }

</sc_bundles>
